<compile_context>
chip_gen: v7x
topology: tpu7x:2x2x1
jax: 0.10.2.dev20260603
libtpu: 0.0.44.dev20260713+nightly
codegen_flags: <defaults>
</compile_context>

<pallas_src>
import functools

import jax
import jax.numpy as jnp
from jax import lax
from jax.experimental import pallas as pl
from jax.experimental.pallas import tpu as pltpu
from jax.experimental.pallas import tpu_sc as plsc

_N = 25000
_E = 312500
_NCOL = 4
_DIM = 32
_NPAD = 25088
_NR8 = _NPAD // 8
_NC = 2
_NS = 16
_ROWS_SUB = _NPAD // _NS
_MICRO = 128
_KM = 8
_CH = _MICRO * _KM
_CHUNKS = 320
_EPAD = _CHUNKS * _CH
_NB0 = 20
_NB1 = 2
_W = 16


def _sc_segsum(table, src, dst2d, zeros):
    mesh = plsc.VectorSubcoreMesh(core_axis_name="c", subcore_axis_name="s")

    @functools.partial(
        pl.kernel,
        mesh=mesh,
        compiler_params=pltpu.CompilerParams(use_tc_tiling_on_sc=False),
        out_type=jax.ShapeDtypeStruct((_NC * _NPAD, _W), jnp.float32),
        scratch_types=[
            pltpu.VMEM((_NB1 * _CH,), jnp.int32),
            pltpu.VMEM((_NB1 * _KM, _MICRO), jnp.int32),
            pltpu.VMEM((_CH, _W), jnp.float32),
            pltpu.VMEM((_CH, _W), jnp.float32),
            pltpu.VMEM_SHARED((_NPAD, _W), jnp.float32),
            pltpu.SemaphoreType.DMA,
            pltpu.SemaphoreType.DMA,
            pltpu.SemaphoreType.DMA,
            pltpu.SemaphoreType.DMA,
        ],
    )
    def k(table_hbm, src_hbm, dst_hbm, zeros_hbm, out_hbm,
          src_all, dst_all, rows0, rows1, acc_sh, semg0, semg1, sems0, sems1):
        cid = lax.axis_index("c")
        sid = lax.axis_index("s")

        def run(base_chunk, nb):
            pltpu.sync_copy(src_hbm.at[pl.ds(base_chunk * _CH, nb * _CH)],
                            src_all.at[pl.ds(0, nb * _CH)])
            pltpu.sync_copy(dst_hbm.at[pl.ds(base_chunk * _KM, nb * _KM)],
                            dst_all.at[pl.ds(0, nb * _KM)])

            def body(i, carry):
                g0 = 2 * i
                g1 = g0 + 1
                cp0 = pltpu.async_copy(
                    table_hbm.at[src_all.at[pl.ds(g0 * _CH, _CH)]], rows0, semg0)
                cp1 = pltpu.async_copy(
                    table_hbm.at[src_all.at[pl.ds(g1 * _CH, _CH)]], rows1, semg1)
                cp0.wait()
                for km in range(_KM):
                    pltpu.async_copy(
                        rows0.at[pl.ds(km * _MICRO, _MICRO)],
                        acc_sh.at[dst_all.at[g0 * _KM + km]],
                        sems0, add=True)
                cp1.wait()
                for km in range(_KM):
                    pltpu.async_copy(
                        rows1.at[pl.ds(km * _MICRO, _MICRO)],
                        acc_sh.at[dst_all.at[g1 * _KM + km]],
                        sems1, add=True)
                pltpu.make_async_copy(
                    table_hbm.at[pl.ds(0, _CH)], rows0, sems0).wait()
                pltpu.make_async_copy(
                    table_hbm.at[pl.ds(0, _CH)], rows1, sems1).wait()
                return carry

            lax.fori_loop(0, nb // 2, body, 0)

        pltpu.sync_copy(zeros_hbm, acc_sh.at[pl.ds(sid * _ROWS_SUB, _ROWS_SUB)])
        plsc.subcore_barrier()

        @pl.when(cid == 0)
        def _():
            run(sid * _NB0, _NB0)


        plsc.subcore_barrier()
        pltpu.sync_copy(
            acc_sh.at[pl.ds(sid * _ROWS_SUB, _ROWS_SUB)],
            out_hbm.at[pl.ds(cid * _NPAD + sid * _ROWS_SUB, _ROWS_SUB)],
        )

    return k(table, src, dst2d, zeros)


def _affine_body(p_ref, x_ref, a_ref, b_ref, c_ref, o_ref):
    s = p_ref[0] + p_ref[1]
    hp = jax.lax.Precision.HIGHEST
    o_ref[...] = (
        jnp.dot(s, a_ref[...], preferred_element_type=jnp.float32,
                precision=hp)
        + jnp.dot(x_ref[...], b_ref[...], preferred_element_type=jnp.float32,
                  precision=hp)
        + c_ref[...]
    )


def _affine(parts, x8, A_big, B_big, c_big):
    return pl.pallas_call(
        _affine_body,
        grid=(1,),
        in_specs=[
            pl.BlockSpec((_NC, _NR8, 128), lambda i: (0, 0, 0)),
            pl.BlockSpec((_NR8, 32), lambda i: (0, 0)),
            pl.BlockSpec((128, 128), lambda i: (0, 0)),
            pl.BlockSpec((32, 128), lambda i: (0, 0)),
            pl.BlockSpec((1, 128), lambda i: (0, 0)),
        ],
        out_specs=pl.BlockSpec((_NR8, 128), lambda i: (0, 0)),
        out_shape=jax.ShapeDtypeStruct((_NR8, 128), jnp.float32),
    )(parts, x8, A_big, B_big, c_big)


def _fold(M, eW, eb):
    M4 = M.reshape(_NCOL, _DIM, -1)
    A = jnp.einsum("ck,cko->co", eW, M4)
    b = jnp.einsum("ck,cko->o", eb, M4)
    return A, b


def _pad_edges(src, dst):
    npad = _EPAD - _E
    pad_src = jnp.full((npad,), _N, dtype=jnp.int32)
    pad_dst = _N + (jnp.arange(npad, dtype=jnp.int32) % (_NPAD - _N))
    src_p = jnp.concatenate([src.astype(jnp.int32), pad_src])
    dst_p = jnp.concatenate([dst.astype(jnp.int32), pad_dst])
    return src_p, dst_p.reshape(-1, _MICRO)


def _x8(x):
    flat = jnp.pad(x.reshape(-1), (0, (_NPAD - _N) * _NCOL))
    return flat.reshape(_NR8, 8 * _NCOL)


_COLMAP = [(j // _NCOL) * _W + (j % _NCOL) for j in range(8 * _NCOL)]
_ONECOLS = [k * _W + _NCOL for k in range(8)]


def kernel(x_user, x_item, edge_u2i, edge_i2u,
           emb_W_user, emb_b_user, emb_W_item, emb_b_item,
           Wl1_u, bl1_u, Wr1_u, Wl1_i, bl1_i, Wr1_i,
           Wl2_u, bl2_u, Wr2_u, Wl2_i, bl2_i, Wr2_i,
           Wm, bm):
    f32 = jnp.float32

    def bf(w):
        return w.astype(jnp.bfloat16).astype(f32)

    with jax.default_matmul_precision("highest"):
        G = bf(Wl2_u) @ bf(Wm)
        H = bf(Wr2_u) @ bf(Wm)
        c0 = bl2_u @ bf(Wm) + bm
        A1, b1 = _fold(bf(Wl1_i) @ G, emb_W_user, emb_b_user)
        A2, b2 = _fold(bf(Wr1_i) @ G, emb_W_item, emb_b_item)
        cJ = b2 + bl1_i @ G
        A3, b3 = _fold(bf(Wl1_u) @ H, emb_W_item, emb_b_item)
        A4, b4 = _fold(bf(Wr1_u) @ H, emb_W_user, emb_b_user)
        cF = b4 + bl1_u @ H + c0

    A_J = jnp.zeros((_W, _W), f32)
    A_J = A_J.at[0:4, 4:14].set(A1).at[4, 4:14].set(b1)
    B_J = jnp.zeros((_NCOL, _W), f32)
    B_J = B_J.at[:, 0:4].set(jnp.eye(_NCOL, dtype=f32)).at[:, 4:14].set(A2)
    c_J = jnp.zeros((1, _W), f32).at[0, 4:14].set(cJ).at[0, 14].set(1.0)
    A_F = jnp.zeros((_W, _W), f32)
    A_F = A_F.at[0:4, 0:10].set(A3).at[4:14, 0:10].set(jnp.eye(10, dtype=f32))
    A_F = A_F.at[14, 0:10].set(b3)
    B_F = jnp.zeros((_NCOL, _W), f32).at[:, 0:10].set(A4)
    c_F = jnp.zeros((1, _W), f32).at[0, 0:10].set(cF)

    eye8 = jnp.eye(8, dtype=f32)
    A_Jb = jnp.kron(eye8, A_J)
    B_Jb = jnp.kron(eye8, B_J)
    c_Jb = jnp.tile(c_J, (1, 8))
    A_Fb = jnp.kron(eye8, A_F)
    B_Fb = jnp.kron(eye8, B_F)
    c_Fb = jnp.tile(c_F, (1, 8))

    zeros = jnp.zeros((_ROWS_SUB, _W), f32)
    xu8 = _x8(x_user)
    xi8 = _x8(x_item)
    pu8 = jnp.zeros((_NR8, 128), f32)
    pu8 = pu8.at[:, jnp.array(_COLMAP)].set(xu8)
    pu8 = pu8.at[:, jnp.array(_ONECOLS)].set(1.0)
    packed_u = pu8.reshape(_NPAD, _W)
    srcA, dstA = _pad_edges(edge_u2i[0], edge_u2i[1])
    srcB, dstB = _pad_edges(edge_i2u[0], edge_i2u[1])

    partsA = _sc_segsum(packed_u, srcA, dstA, zeros).reshape(_NC, _NR8, 128)
    j16 = _affine(partsA, xi8, A_Jb, B_Jb, c_Jb).reshape(_NPAD, _W)
    partsB = _sc_segsum(j16, srcB, dstB, zeros).reshape(_NC, _NR8, 128)
    out8 = _affine(partsB, xu8, A_Fb, B_Fb, c_Fb)
    return out8.reshape(_NPAD, _W)[:_N, :10]

# --- scband reference (transcript-rebuilt; emitter-appended) ---
"""Pipeline reference for scband-model-15676630630728 (READ-ONLY COPY).

The authoritative reference and input builder live on the scoring server;
editing this copy changes nothing except your own understanding.
"""

import jax, jax.numpy as jnp
import numpy as np

N_USER = 25000
N_ITEM = 25000
E = 312500
NCOL = 4
DIM = 32
D0 = NCOL * DIM
D1 = 128
D2 = 64
OUT = 10


def _p(key, shape):
    return jax.random.normal(key, shape, dtype=jnp.float32) * 0.05


def setup_inputs(seed: int = 0) -> dict:
    key = jax.random.key(seed)
    ks = jax.random.split(key, 32)
    inp = {}
    inp["x_user"] = jax.random.normal(ks[0], (N_USER, NCOL), dtype=jnp.float32)
    inp["x_item"] = jax.random.normal(ks[1], (N_ITEM, NCOL), dtype=jnp.float32)
    inp["edge_u2i"] = jnp.stack([jax.random.randint(ks[2], (E,), 0, N_USER),
                                 jax.random.randint(ks[3], (E,), 0, N_ITEM)], axis=0)
    inp["edge_i2u"] = jnp.stack([jax.random.randint(ks[4], (E,), 0, N_ITEM),
                                 jax.random.randint(ks[5], (E,), 0, N_USER)], axis=0)
    # per-column numeric embedders (CatEmbedder not used: all columns numeric)
    inp["emb_W_user"] = _p(ks[6], (NCOL, DIM))
    inp["emb_b_user"] = _p(ks[7], (NCOL, DIM))
    inp["emb_W_item"] = _p(ks[8], (NCOL, DIM))
    inp["emb_b_item"] = _p(ks[9], (NCOL, DIM))
    # HeteroGNN layer 1: SAGEConv (D0 -> D1) per edge type; lin_l has bias, lin_r (root) has no bias
    inp["Wl1_u"] = _p(ks[10], (D0, D1)); inp["bl1_u"] = _p(ks[11], (D1,)); inp["Wr1_u"] = _p(ks[12], (D0, D1))
    inp["Wl1_i"] = _p(ks[13], (D0, D1)); inp["bl1_i"] = _p(ks[14], (D1,)); inp["Wr1_i"] = _p(ks[15], (D0, D1))
    # HeteroGNN layer 2: SAGEConv (D1 -> D2)
    inp["Wl2_u"] = _p(ks[16], (D1, D2)); inp["bl2_u"] = _p(ks[17], (D2,)); inp["Wr2_u"] = _p(ks[18], (D1, D2))
    inp["Wl2_i"] = _p(ks[19], (D1, D2)); inp["bl2_i"] = _p(ks[20], (D2,)); inp["Wr2_i"] = _p(ks[21], (D1, D2))
    # final MLP: Linear(D2 -> OUT)
    inp["Wm"] = _p(ks[22], (D2, OUT)); inp["bm"] = _p(ks[23], (OUT,))
    return inp


def _embed(x, W, b):
    # NumEmbedder per column: scalar -> DIM, then flatten columns: [N, NCOL] -> [N, NCOL*DIM]
    h = x[:, :, None] * W[None, :, :] + b[None, :, :]
    return h.reshape(x.shape[0], -1)


def _sage(x_src, x_dst, ei, Wl, bl, Wr, n_dst):
    # SAGEConv with aggr='sum', no self loops: lin_l(sum-aggregated src msgs) + lin_r(x_dst)
    msg = jnp.take(x_src, ei[0], axis=0)
    agg = jax.ops.segment_sum(msg, ei[1], num_segments=n_dst)
    return agg @ Wl + bl + x_dst @ Wr


def reference(x_user, x_item, edge_u2i, edge_i2u,
              emb_W_user, emb_b_user, emb_W_item, emb_b_item,
              Wl1_u, bl1_u, Wr1_u, Wl1_i, bl1_i, Wr1_i,
              Wl2_u, bl2_u, Wr2_u, Wl2_i, bl2_i, Wr2_i,
              Wm, bm):
    hu = _embed(x_user, emb_W_user, emb_b_user)
    hi = _embed(x_item, emb_W_item, emb_b_item)
    # HeteroGNN layer 1 (HeteroConv: user receives only from item->user, item only from user->item)
    u1 = _sage(hi, hu, edge_i2u, Wl1_u, bl1_u, Wr1_u, N_USER)
    i1 = _sage(hu, hi, edge_u2i, Wl1_i, bl1_i, Wr1_i, N_ITEM)
    # HeteroGNN layer 2
    u2 = _sage(i1, u1, edge_i2u, Wl2_u, bl2_u, Wr2_u, N_USER)
    i2 = _sage(u1, i1, edge_u2i, Wl2_i, bl2_i, Wr2_i, N_ITEM)  # computed by model, unused for target table
    del i2
    # x_dict[target_table='user'] -> MLP
    return u2 @ Wm + bm


if False:  # reference __main__ guard neutralized (emitter)
    out = reference(**setup_inputs())
    print(out.shape)

if __name__ == "__main__":
    import jax
    _d = setup_inputs()
    print(jax.jit(kernel)(*tuple(_d.values())))

</pallas_src>

<mosaic_0001>
#map = affine_map<(d0, d1) -> (0, 0)>
#map1 = affine_map<(d0, d1) -> (0)>
module attributes {stable_mosaic.version = 14 : i64} {
  func.func @k(%arg0: i32, %arg1: i32, %arg2: memref<25088x16xf32, #tpu.memory_space<hbm>>, %arg3: memref<327680xi32, #tpu.memory_space<hbm>>, %arg4: memref<2560x128xi32, #tpu.memory_space<hbm>>, %arg5: memref<1568x16xf32, #tpu.memory_space<hbm>>, %arg6: memref<50176x16xf32, #tpu.memory_space<hbm>>, %arg7: memref<2048xi32, #tpu.memory_space<vmem>>, %arg8: memref<16x128xi32, #tpu.memory_space<vmem>>, %arg9: memref<1024x16xf32, #tpu.memory_space<vmem>>, %arg10: memref<1024x16xf32, #tpu.memory_space<vmem>>, %arg11: memref<25088x16xf32, #tpu.memory_space<vmem_shared>>, %arg12: memref<!tpu.dma_semaphore, #tpu.memory_space<semaphore_mem>>, %arg13: memref<!tpu.dma_semaphore, #tpu.memory_space<semaphore_mem>>, %arg14: memref<!tpu.dma_semaphore, #tpu.memory_space<semaphore_mem>>, %arg15: memref<!tpu.dma_semaphore, #tpu.memory_space<semaphore_mem>>) attributes {dimension_semantics = [#tpu.dimension_semantics<core_parallel>, #tpu.dimension_semantics<subcore_parallel>], iteration_bounds = array<i64: 2, 16>, scalar_prefetch = 0 : i64, scratch_operands = 9 : i64, tpu.core_type = #tpu.core_type<sc_vector_subcore>, window_params = [{transform_indices = #map}, {transform_indices = #map1}, {transform_indices = #map}, {transform_indices = #map}, {transform_indices = #map}]} {
    %mul3A = arith.constant 1568 : i32
    %mul3A_0 = arith.muli %arg1, %mul3A : i32
    "tpu.region"() ({
      %run_scoped3A = tpu.sem_alloc : memref<!tpu.dma_semaphore, #tpu.memory_space<semaphore_mem>>
      %dma_start3A = arith.constant 0 : i32
      %dma_start3A_10 = tpu.memref_slice %arg11[%mul3A_0, %dma_start3A] : memref<25088x16xf32, #tpu.memory_space<vmem_shared>> -> memref<1568x16xf32, #tpu.memory_space<vmem_shared>>
      tpu.enqueue_dma source(%arg5 : memref<1568x16xf32, #tpu.memory_space<hbm>>) target(%dma_start3A_10 : memref<1568x16xf32, #tpu.memory_space<vmem_shared>>) target_semaphore(%run_scoped3A : memref<!tpu.dma_semaphore, #tpu.memory_space<semaphore_mem>>)
      %dma_wait3A = arith.constant 0 : i32
      %dma_wait3A_11 = tpu.memref_slice %arg11[%mul3A_0, %dma_wait3A] : memref<25088x16xf32, #tpu.memory_space<vmem_shared>> -> memref<1568x16xf32, #tpu.memory_space<vmem_shared>>
      tpu.wait_dma2 semaphore(%run_scoped3A : memref<!tpu.dma_semaphore, #tpu.memory_space<semaphore_mem>>) src(%arg5 : memref<1568x16xf32, #tpu.memory_space<hbm>>) dst(%dma_wait3A_11 : memref<1568x16xf32, #tpu.memory_space<vmem_shared>>)
      tpu.yield
    }) : () -> ()
    %barrier3A = arith.constant 0 : index
    tpu.barrier barrier_id(%barrier3A)
    %eq3A = arith.constant 0 : i32
    %eq3A_1 = arith.cmpi eq, %arg0, %eq3A : i32
    %convert_element_type3A = arith.extui %eq3A_1 : i1 to i32
    %cond3A = arith.constant 0 : i32
    %cond3A_2 = arith.cmpi ne, %convert_element_type3A, %cond3A : i32
    scf.if %cond3A_2 {
      %mul3A_10 = arith.constant 20 : i32
      %mul3A_11 = arith.muli %arg1, %mul3A_10 : i32
      %mul3A_12 = arith.constant 1024 : i32
      %mul3A_13 = arith.muli %mul3A_11, %mul3A_12 : i32
      "tpu.region"() ({
        %run_scoped3A = tpu.sem_alloc : memref<!tpu.dma_semaphore, #tpu.memory_space<semaphore_mem>>
        %dma_start3A = arith.constant 0 : i32
        %dma_start3A_21 = tpu.memref_slice %arg7[%dma_start3A] : memref<2048xi32, #tpu.memory_space<vmem>> -> memref<20480xi32, #tpu.memory_space<vmem>>
        %dma_start3A_22 = tpu.memref_slice %arg3[%mul3A_13] : memref<327680xi32, #tpu.memory_space<hbm>> -> memref<20480xi32, #tpu.memory_space<hbm>>
        %dma_start3A_23 = arith.constant 0 : i32
        %dma_start3A_24 = tpu.memref_slice %arg7[%dma_start3A_23] : memref<2048xi32, #tpu.memory_space<vmem>> -> memref<20480xi32, #tpu.memory_space<vmem>>
        %dma_start3A_25 = tpu.memref_slice %arg3[%mul3A_13] : memref<327680xi32, #tpu.memory_space<hbm>> -> memref<20480xi32, #tpu.memory_space<hbm>>
        tpu.enqueue_dma source(%dma_start3A_25 : memref<20480xi32, #tpu.memory_space<hbm>>) target(%dma_start3A_24 : memref<20480xi32, #tpu.memory_space<vmem>>) target_semaphore(%run_scoped3A : memref<!tpu.dma_semaphore, #tpu.memory_space<semaphore_mem>>)
        %dma_wait3A = arith.constant 0 : i32
        %dma_wait3A_26 = tpu.memref_slice %arg7[%dma_wait3A] : memref<2048xi32, #tpu.memory_space<vmem>> -> memref<20480xi32, #tpu.memory_space<vmem>>
        %dma_wait3A_27 = tpu.memref_slice %arg3[%mul3A_13] : memref<327680xi32, #tpu.memory_space<hbm>> -> memref<20480xi32, #tpu.memory_space<hbm>>
        %dma_wait3A_28 = arith.constant 0 : i32
        %dma_wait3A_29 = tpu.memref_slice %arg7[%dma_wait3A_28] : memref<2048xi32, #tpu.memory_space<vmem>> -> memref<20480xi32, #tpu.memory_space<vmem>>
        %dma_wait3A_30 = tpu.memref_slice %arg3[%mul3A_13] : memref<327680xi32, #tpu.memory_space<hbm>> -> memref<20480xi32, #tpu.memory_space<hbm>>
        tpu.wait_dma2 semaphore(%run_scoped3A : memref<!tpu.dma_semaphore, #tpu.memory_space<semaphore_mem>>) src(%dma_wait3A_30 : memref<20480xi32, #tpu.memory_space<hbm>>) dst(%dma_wait3A_29 : memref<20480xi32, #tpu.memory_space<vmem>>)
        tpu.yield
      }) : () -> ()
      %mul3A_14 = arith.constant 8 : i32
      %mul3A_15 = arith.muli %mul3A_11, %mul3A_14 : i32
      "tpu.region"() ({
        %run_scoped3A = tpu.sem_alloc : memref<!tpu.dma_semaphore, #tpu.memory_space<semaphore_mem>>
        %dma_start3A = arith.constant 0 : i32
        %dma_start3A_21 = arith.constant 0 : i32
        %dma_start3A_22 = tpu.memref_slice %arg8[%dma_start3A, %dma_start3A_21] : memref<16x128xi32, #tpu.memory_space<vmem>> -> memref<160x128xi32, #tpu.memory_space<vmem>>
        %dma_start3A_23 = arith.constant 0 : i32
        %dma_start3A_24 = tpu.memref_slice %arg4[%mul3A_15, %dma_start3A_23] : memref<2560x128xi32, #tpu.memory_space<hbm>> -> memref<160x128xi32, #tpu.memory_space<hbm>>
        %dma_start3A_25 = arith.constant 0 : i32
        %dma_start3A_26 = arith.constant 0 : i32
        %dma_start3A_27 = tpu.memref_slice %arg8[%dma_start3A_25, %dma_start3A_26] : memref<16x128xi32, #tpu.memory_space<vmem>> -> memref<160x128xi32, #tpu.memory_space<vmem>>
        %dma_start3A_28 = arith.constant 0 : i32
        %dma_start3A_29 = tpu.memref_slice %arg4[%mul3A_15, %dma_start3A_28] : memref<2560x128xi32, #tpu.memory_space<hbm>> -> memref<160x128xi32, #tpu.memory_space<hbm>>
        tpu.enqueue_dma source(%dma_start3A_29 : memref<160x128xi32, #tpu.memory_space<hbm>>) target(%dma_start3A_27 : memref<160x128xi32, #tpu.memory_space<vmem>>) target_semaphore(%run_scoped3A : memref<!tpu.dma_semaphore, #tpu.memory_space<semaphore_mem>>)
        %dma_wait3A = arith.constant 0 : i32
        %dma_wait3A_30 = arith.constant 0 : i32
        %dma_wait3A_31 = tpu.memref_slice %arg8[%dma_wait3A, %dma_wait3A_30] : memref<16x128xi32, #tpu.memory_space<vmem>> -> memref<160x128xi32, #tpu.memory_space<vmem>>
        %dma_wait3A_32 = arith.constant 0 : i32
        %dma_wait3A_33 = tpu.memref_slice %arg4[%mul3A_15, %dma_wait3A_32] : memref<2560x128xi32, #tpu.memory_space<hbm>> -> memref<160x128xi32, #tpu.memory_space<hbm>>
        %dma_wait3A_34 = arith.constant 0 : i32
        %dma_wait3A_35 = arith.constant 0 : i32
        %dma_wait3A_36 = tpu.memref_slice %arg8[%dma_wait3A_34, %dma_wait3A_35] : memref<16x128xi32, #tpu.memory_space<vmem>> -> memref<160x128xi32, #tpu.memory_space<vmem>>
        %dma_wait3A_37 = arith.constant 0 : i32
        %dma_wait3A_38 = tpu.memref_slice %arg4[%mul3A_15, %dma_wait3A_37] : memref<2560x128xi32, #tpu.memory_space<hbm>> -> memref<160x128xi32, #tpu.memory_space<hbm>>
        tpu.wait_dma2 semaphore(%run_scoped3A : memref<!tpu.dma_semaphore, #tpu.memory_space<semaphore_mem>>) src(%dma_wait3A_38 : memref<160x128xi32, #tpu.memory_space<hbm>>) dst(%dma_wait3A_36 : memref<160x128xi32, #tpu.memory_space<vmem>>)
        tpu.yield
      }) : () -> ()
      %scan3A = arith.constant 0 : i32
      %scan3A_16 = arith.constant 0 : i32
      %scan3A_17 = arith.constant 10 : i32
      %scan3A_18 = arith.addi %scan3A_16, %scan3A_17 : i32
      %scan3A_19 = arith.constant 1 : i32
      scf.for %scan3A_21 = %scan3A_16 to %scan3A_18 step %scan3A_19  : i32 {
        %mul3A_22 = arith.constant 2 : i32
        %mul3A_23 = arith.muli %mul3A_22, %scan3A_21 : i32
        %add3A_24 = arith.constant 1 : i32
        %add3A_25 = arith.addi %mul3A_23, %add3A_24 : i32
        %mul3A_26 = arith.constant 1024 : i32
        %mul3A_27 = arith.muli %mul3A_23, %mul3A_26 : i32
        %dma_start3A = tpu.memref_slice %arg7[%mul3A_27] : memref<2048xi32, #tpu.memory_space<vmem>> -> memref<1024xi32, #tpu.memory_space<vmem>>
        %dma_start3A_28 = arith.constant 0 : i32
        %dma_start3A_29 = arith.constant 0 : i32
        %dma_start3A_30 = tpu.memref_slice %arg2[%dma_start3A_28, %dma_start3A_29] : memref<25088x16xf32, #tpu.memory_space<hbm>> -> memref<25088x16xf32, #tpu.memory_space<hbm>>
        tpu.enqueue_indirect_dma source(%dma_start3A_30 : memref<25088x16xf32, #tpu.memory_space<hbm>>) target(%arg9 : memref<1024x16xf32, #tpu.memory_space<vmem>>) offsets(%dma_start3A : memref<1024xi32, #tpu.memory_space<vmem>>) semaphore(%arg12 : memref<!tpu.dma_semaphore, #tpu.memory_space<semaphore_mem>>)
        %mul3A_31 = arith.constant 1024 : i32
        %mul3A_32 = arith.muli %add3A_25, %mul3A_31 : i32
        %dma_start3A_33 = tpu.memref_slice %arg7[%mul3A_32] : memref<2048xi32, #tpu.memory_space<vmem>> -> memref<1024xi32, #tpu.memory_space<vmem>>
        %dma_start3A_34 = arith.constant 0 : i32
        %dma_start3A_35 = arith.constant 0 : i32
        %dma_start3A_36 = tpu.memref_slice %arg2[%dma_start3A_34, %dma_start3A_35] : memref<25088x16xf32, #tpu.memory_space<hbm>> -> memref<25088x16xf32, #tpu.memory_space<hbm>>
        tpu.enqueue_indirect_dma source(%dma_start3A_36 : memref<25088x16xf32, #tpu.memory_space<hbm>>) target(%arg10 : memref<1024x16xf32, #tpu.memory_space<vmem>>) offsets(%dma_start3A_33 : memref<1024xi32, #tpu.memory_space<vmem>>) semaphore(%arg13 : memref<!tpu.dma_semaphore, #tpu.memory_space<semaphore_mem>>)
        %dma_wait3A = tpu.memref_slice %arg7[%mul3A_27] : memref<2048xi32, #tpu.memory_space<vmem>> -> memref<1024xi32, #tpu.memory_space<vmem>>
        %dma_wait3A_37 = arith.constant 0 : i32
        %dma_wait3A_38 = arith.constant 0 : i32
        %dma_wait3A_39 = tpu.memref_slice %arg2[%dma_wait3A_37, %dma_wait3A_38] : memref<25088x16xf32, #tpu.memory_space<hbm>> -> memref<25088x16xf32, #tpu.memory_space<hbm>>
        tpu.wait_indirect_dma semaphore(%arg12 : memref<!tpu.dma_semaphore, #tpu.memory_space<semaphore_mem>>) src(%dma_wait3A_39 : memref<25088x16xf32, #tpu.memory_space<hbm>>) dst(%arg9 : memref<1024x16xf32, #tpu.memory_space<vmem>>)
        %mul3A_40 = arith.constant 8 : i32
        %mul3A_41 = arith.muli %mul3A_23, %mul3A_40 : i32
        %add3A_42 = arith.constant 0 : i32
        %add3A_43 = arith.addi %mul3A_41, %add3A_42 : i32
        %dma_start3A_44 = arith.constant 0 : i32
        %dma_start3A_45 = arith.constant 0 : i32
        %dma_start3A_46 = tpu.memref_slice %arg9[%dma_start3A_44, %dma_start3A_45] : memref<1024x16xf32, #tpu.memory_space<vmem>> -> memref<128x16xf32, #tpu.memory_space<vmem>>
        %dma_start3A_47 = arith.constant 0 : i32
        %dma_start3A_48 = tpu.memref_slice %arg8[%add3A_43, %dma_start3A_47] : memref<16x128xi32, #tpu.memory_space<vmem>> -> memref<1x128xi32, #tpu.memory_space<vmem>>
        %dma_start3A_49 = tpu.memref_squeeze %dma_start3A_48 : memref<1x128xi32, #tpu.memory_space<vmem>> -> memref<128xi32, #tpu.memory_space<vmem>>
        %dma_start3A_50 = arith.constant 0 : i32
        %dma_start3A_51 = arith.constant 0 : i32
        %dma_start3A_52 = tpu.memref_slice %arg11[%dma_start3A_50, %dma_start3A_51] : memref<25088x16xf32, #tpu.memory_space<vmem_shared>> -> memref<25088x16xf32, #tpu.memory_space<vmem_shared>>
        tpu.enqueue_indirect_dma source(%dma_start3A_46 : memref<128x16xf32, #tpu.memory_space<vmem>>) target(%dma_start3A_52 : memref<25088x16xf32, #tpu.memory_space<vmem_shared>>) offsets(%dma_start3A_49 : memref<128xi32, #tpu.memory_space<vmem>>) semaphore(%arg14 : memref<!tpu.dma_semaphore, #tpu.memory_space<semaphore_mem>>) {add = true}
        %mul3A_53 = arith.constant 8 : i32
        %mul3A_54 = arith.muli %mul3A_23, %mul3A_53 : i32
        %add3A_55 = arith.constant 1 : i32
        %add3A_56 = arith.addi %mul3A_54, %add3A_55 : i32
        %dma_start3A_57 = arith.constant 128 : i32
        %dma_start3A_58 = arith.constant 0 : i32
        %dma_start3A_59 = tpu.memref_slice %arg9[%dma_start3A_57, %dma_start3A_58] : memref<1024x16xf32, #tpu.memory_space<vmem>> -> memref<128x16xf32, #tpu.memory_space<vmem>>
        %dma_start3A_60 = arith.constant 0 : i32
        %dma_start3A_61 = tpu.memref_slice %arg8[%add3A_56, %dma_start3A_60] : memref<16x128xi32, #tpu.memory_space<vmem>> -> memref<1x128xi32, #tpu.memory_space<vmem>>
        %dma_start3A_62 = tpu.memref_squeeze %dma_start3A_61 : memref<1x128xi32, #tpu.memory_space<vmem>> -> memref<128xi32, #tpu.memory_space<vmem>>
        %dma_start3A_63 = arith.constant 0 : i32
        %dma_start3A_64 = arith.constant 0 : i32
        %dma_start3A_65 = tpu.memref_slice %arg11[%dma_start3A_63, %dma_start3A_64] : memref<25088x16xf32, #tpu.memory_space<vmem_shared>> -> memref<25088x16xf32, #tpu.memory_space<vmem_shared>>
        tpu.enqueue_indirect_dma source(%dma_start3A_59 : memref<128x16xf32, #tpu.memory_space<vmem>>) target(%dma_start3A_65 : memref<25088x16xf32, #tpu.memory_space<vmem_shared>>) offsets(%dma_start3A_62 : memref<128xi32, #tpu.memory_space<vmem>>) semaphore(%arg14 : memref<!tpu.dma_semaphore, #tpu.memory_space<semaphore_mem>>) {add = true}
        %mul3A_66 = arith.constant 8 : i32
        %mul3A_67 = arith.muli %mul3A_23, %mul3A_66 : i32
        %add3A_68 = arith.constant 2 : i32
        %add3A_69 = arith.addi %mul3A_67, %add3A_68 : i32
        %dma_start3A_70 = arith.constant 256 : i32
        %dma_start3A_71 = arith.constant 0 : i32
        %dma_start3A_72 = tpu.memref_slice %arg9[%dma_start3A_70, %dma_start3A_71] : memref<1024x16xf32, #tpu.memory_space<vmem>> -> memref<128x16xf32, #tpu.memory_space<vmem>>
        %dma_start3A_73 = arith.constant 0 : i32
        %dma_start3A_74 = tpu.memref_slice %arg8[%add3A_69, %dma_start3A_73] : memref<16x128xi32, #tpu.memory_space<vmem>> -> memref<1x128xi32, #tpu.memory_space<vmem>>
        %dma_start3A_75 = tpu.memref_squeeze %dma_start3A_74 : memref<1x128xi32, #tpu.memory_space<vmem>> -> memref<128xi32, #tpu.memory_space<vmem>>
        %dma_start3A_76 = arith.constant 0 : i32
        %dma_start3A_77 = arith.constant 0 : i32
        %dma_start3A_78 = tpu.memref_slice %arg11[%dma_start3A_76, %dma_start3A_77] : memref<25088x16xf32, #tpu.memory_space<vmem_shared>> -> memref<25088x16xf32, #tpu.memory_space<vmem_shared>>
        tpu.enqueue_indirect_dma source(%dma_start3A_72 : memref<128x16xf32, #tpu.memory_space<vmem>>) target(%dma_start3A_78 : memref<25088x16xf32, #tpu.memory_space<vmem_shared>>) offsets(%dma_start3A_75 : memref<128xi32, #tpu.memory_space<vmem>>) semaphore(%arg14 : memref<!tpu.dma_semaphore, #tpu.memory_space<semaphore_mem>>) {add = true}
        %mul3A_79 = arith.constant 8 : i32
        %mul3A_80 = arith.muli %mul3A_23, %mul3A_79 : i32
        %add3A_81 = arith.constant 3 : i32
        %add3A_82 = arith.addi %mul3A_80, %add3A_81 : i32
        %dma_start3A_83 = arith.constant 384 : i32
        %dma_start3A_84 = arith.constant 0 : i32
        %dma_start3A_85 = tpu.memref_slice %arg9[%dma_start3A_83, %dma_start3A_84] : memref<1024x16xf32, #tpu.memory_space<vmem>> -> memref<128x16xf32, #tpu.memory_space<vmem>>
        %dma_start3A_86 = arith.constant 0 : i32
        %dma_start3A_87 = tpu.memref_slice %arg8[%add3A_82, %dma_start3A_86] : memref<16x128xi32, #tpu.memory_space<vmem>> -> memref<1x128xi32, #tpu.memory_space<vmem>>
        %dma_start3A_88 = tpu.memref_squeeze %dma_start3A_87 : memref<1x128xi32, #tpu.memory_space<vmem>> -> memref<128xi32, #tpu.memory_space<vmem>>
        %dma_start3A_89 = arith.constant 0 : i32
        %dma_start3A_90 = arith.constant 0 : i32
        %dma_start3A_91 = tpu.memref_slice %arg11[%dma_start3A_89, %dma_start3A_90] : memref<25088x16xf32, #tpu.memory_space<vmem_shared>> -> memref<25088x16xf32, #tpu.memory_space<vmem_shared>>
        tpu.enqueue_indirect_dma source(%dma_start3A_85 : memref<128x16xf32, #tpu.memory_space<vmem>>) target(%dma_start3A_91 : memref<25088x16xf32, #tpu.memory_space<vmem_shared>>) offsets(%dma_start3A_88 : memref<128xi32, #tpu.memory_space<vmem>>) semaphore(%arg14 : memref<!tpu.dma_semaphore, #tpu.memory_space<semaphore_mem>>) {add = true}
        %mul3A_92 = arith.constant 8 : i32
        %mul3A_93 = arith.muli %mul3A_23, %mul3A_92 : i32
        %add3A_94 = arith.constant 4 : i32
        %add3A_95 = arith.addi %mul3A_93, %add3A_94 : i32
        %dma_start3A_96 = arith.constant 512 : i32
        %dma_start3A_97 = arith.constant 0 : i32
        %dma_start3A_98 = tpu.memref_slice %arg9[%dma_start3A_96, %dma_start3A_97] : memref<1024x16xf32, #tpu.memory_space<vmem>> -> memref<128x16xf32, #tpu.memory_space<vmem>>
        %dma_start3A_99 = arith.constant 0 : i32
        %dma_start3A_100 = tpu.memref_slice %arg8[%add3A_95, %dma_start3A_99] : memref<16x128xi32, #tpu.memory_space<vmem>> -> memref<1x128xi32, #tpu.memory_space<vmem>>
        %dma_start3A_101 = tpu.memref_squeeze %dma_start3A_100 : memref<1x128xi32, #tpu.memory_space<vmem>> -> memref<128xi32, #tpu.memory_space<vmem>>
        %dma_start3A_102 = arith.constant 0 : i32
        %dma_start3A_103 = arith.constant 0 : i32
        %dma_start3A_104 = tpu.memref_slice %arg11[%dma_start3A_102, %dma_start3A_103] : memref<25088x16xf32, #tpu.memory_space<vmem_shared>> -> memref<25088x16xf32, #tpu.memory_space<vmem_shared>>
        tpu.enqueue_indirect_dma source(%dma_start3A_98 : memref<128x16xf32, #tpu.memory_space<vmem>>) target(%dma_start3A_104 : memref<25088x16xf32, #tpu.memory_space<vmem_shared>>) offsets(%dma_start3A_101 : memref<128xi32, #tpu.memory_space<vmem>>) semaphore(%arg14 : memref<!tpu.dma_semaphore, #tpu.memory_space<semaphore_mem>>) {add = true}
        %mul3A_105 = arith.constant 8 : i32
        %mul3A_106 = arith.muli %mul3A_23, %mul3A_105 : i32
        %add3A_107 = arith.constant 5 : i32
        %add3A_108 = arith.addi %mul3A_106, %add3A_107 : i32
        %dma_start3A_109 = arith.constant 640 : i32
        %dma_start3A_110 = arith.constant 0 : i32
        %dma_start3A_111 = tpu.memref_slice %arg9[%dma_start3A_109, %dma_start3A_110] : memref<1024x16xf32, #tpu.memory_space<vmem>> -> memref<128x16xf32, #tpu.memory_space<vmem>>
        %dma_start3A_112 = arith.constant 0 : i32
        %dma_start3A_113 = tpu.memref_slice %arg8[%add3A_108, %dma_start3A_112] : memref<16x128xi32, #tpu.memory_space<vmem>> -> memref<1x128xi32, #tpu.memory_space<vmem>>
        %dma_start3A_114 = tpu.memref_squeeze %dma_start3A_113 : memref<1x128xi32, #tpu.memory_space<vmem>> -> memref<128xi32, #tpu.memory_space<vmem>>
        %dma_start3A_115 = arith.constant 0 : i32
        %dma_start3A_116 = arith.constant 0 : i32
        %dma_start3A_117 = tpu.memref_slice %arg11[%dma_start3A_115, %dma_start3A_116] : memref<25088x16xf32, #tpu.memory_space<vmem_shared>> -> memref<25088x16xf32, #tpu.memory_space<vmem_shared>>
        tpu.enqueue_indirect_dma source(%dma_start3A_111 : memref<128x16xf32, #tpu.memory_space<vmem>>) target(%dma_start3A_117 : memref<25088x16xf32, #tpu.memory_space<vmem_shared>>) offsets(%dma_start3A_114 : memref<128xi32, #tpu.memory_space<vmem>>) semaphore(%arg14 : memref<!tpu.dma_semaphore, #tpu.memory_space<semaphore_mem>>) {add = true}
        %mul3A_118 = arith.constant 8 : i32
        %mul3A_119 = arith.muli %mul3A_23, %mul3A_118 : i32
        %add3A_120 = arith.constant 6 : i32
        %add3A_121 = arith.addi %mul3A_119, %add3A_120 : i32
        %dma_start3A_122 = arith.constant 768 : i32
        %dma_start3A_123 = arith.constant 0 : i32
        %dma_start3A_124 = tpu.memref_slice %arg9[%dma_start3A_122, %dma_start3A_123] : memref<1024x16xf32, #tpu.memory_space<vmem>> -> memref<128x16xf32, #tpu.memory_space<vmem>>
        %dma_start3A_125 = arith.constant 0 : i32
        %dma_start3A_126 = tpu.memref_slice %arg8[%add3A_121, %dma_start3A_125] : memref<16x128xi32, #tpu.memory_space<vmem>> -> memref<1x128xi32, #tpu.memory_space<vmem>>
        %dma_start3A_127 = tpu.memref_squeeze %dma_start3A_126 : memref<1x128xi32, #tpu.memory_space<vmem>> -> memref<128xi32, #tpu.memory_space<vmem>>
        %dma_start3A_128 = arith.constant 0 : i32
        %dma_start3A_129 = arith.constant 0 : i32
        %dma_start3A_130 = tpu.memref_slice %arg11[%dma_start3A_128, %dma_start3A_129] : memref<25088x16xf32, #tpu.memory_space<vmem_shared>> -> memref<25088x16xf32, #tpu.memory_space<vmem_shared>>
        tpu.enqueue_indirect_dma source(%dma_start3A_124 : memref<128x16xf32, #tpu.memory_space<vmem>>) target(%dma_start3A_130 : memref<25088x16xf32, #tpu.memory_space<vmem_shared>>) offsets(%dma_start3A_127 : memref<128xi32, #tpu.memory_space<vmem>>) semaphore(%arg14 : memref<!tpu.dma_semaphore, #tpu.memory_space<semaphore_mem>>) {add = true}
        %mul3A_131 = arith.constant 8 : i32
        %mul3A_132 = arith.muli %mul3A_23, %mul3A_131 : i32
        %add3A_133 = arith.constant 7 : i32
        %add3A_134 = arith.addi %mul3A_132, %add3A_133 : i32
        %dma_start3A_135 = arith.constant 896 : i32
        %dma_start3A_136 = arith.constant 0 : i32
        %dma_start3A_137 = tpu.memref_slice %arg9[%dma_start3A_135, %dma_start3A_136] : memref<1024x16xf32, #tpu.memory_space<vmem>> -> memref<128x16xf32, #tpu.memory_space<vmem>>
        %dma_start3A_138 = arith.constant 0 : i32
        %dma_start3A_139 = tpu.memref_slice %arg8[%add3A_134, %dma_start3A_138] : memref<16x128xi32, #tpu.memory_space<vmem>> -> memref<1x128xi32, #tpu.memory_space<vmem>>
        %dma_start3A_140 = tpu.memref_squeeze %dma_start3A_139 : memref<1x128xi32, #tpu.memory_space<vmem>> -> memref<128xi32, #tpu.memory_space<vmem>>
        %dma_start3A_141 = arith.constant 0 : i32
        %dma_start3A_142 = arith.constant 0 : i32
        %dma_start3A_143 = tpu.memref_slice %arg11[%dma_start3A_141, %dma_start3A_142] : memref<25088x16xf32, #tpu.memory_space<vmem_shared>> -> memref<25088x16xf32, #tpu.memory_space<vmem_shared>>
        tpu.enqueue_indirect_dma source(%dma_start3A_137 : memref<128x16xf32, #tpu.memory_space<vmem>>) target(%dma_start3A_143 : memref<25088x16xf32, #tpu.memory_space<vmem_shared>>) offsets(%dma_start3A_140 : memref<128xi32, #tpu.memory_space<vmem>>) semaphore(%arg14 : memref<!tpu.dma_semaphore, #tpu.memory_space<semaphore_mem>>) {add = true}
        %dma_wait3A_144 = tpu.memref_slice %arg7[%mul3A_32] : memref<2048xi32, #tpu.memory_space<vmem>> -> memref<1024xi32, #tpu.memory_space<vmem>>
        %dma_wait3A_145 = arith.constant 0 : i32
        %dma_wait3A_146 = arith.constant 0 : i32
        %dma_wait3A_147 = tpu.memref_slice %arg2[%dma_wait3A_145, %dma_wait3A_146] : memref<25088x16xf32, #tpu.memory_space<hbm>> -> memref<25088x16xf32, #tpu.memory_space<hbm>>
        tpu.wait_indirect_dma semaphore(%arg13 : memref<!tpu.dma_semaphore, #tpu.memory_space<semaphore_mem>>) src(%dma_wait3A_147 : memref<25088x16xf32, #tpu.memory_space<hbm>>) dst(%arg10 : memref<1024x16xf32, #tpu.memory_space<vmem>>)
        %mul3A_148 = arith.constant 8 : i32
        %mul3A_149 = arith.muli %add3A_25, %mul3A_148 : i32
        %add3A_150 = arith.constant 0 : i32
        %add3A_151 = arith.addi %mul3A_149, %add3A_150 : i32
        %dma_start3A_152 = arith.constant 0 : i32
        %dma_start3A_153 = arith.constant 0 : i32
        %dma_start3A_154 = tpu.memref_slice %arg10[%dma_start3A_152, %dma_start3A_153] : memref<1024x16xf32, #tpu.memory_space<vmem>> -> memref<128x16xf32, #tpu.memory_space<vmem>>
        %dma_start3A_155 = arith.constant 0 : i32
        %dma_start3A_156 = tpu.memref_slice %arg8[%add3A_151, %dma_start3A_155] : memref<16x128xi32, #tpu.memory_space<vmem>> -> memref<1x128xi32, #tpu.memory_space<vmem>>
        %dma_start3A_157 = tpu.memref_squeeze %dma_start3A_156 : memref<1x128xi32, #tpu.memory_space<vmem>> -> memref<128xi32, #tpu.memory_space<vmem>>
        %dma_start3A_158 = arith.constant 0 : i32
        %dma_start3A_159 = arith.constant 0 : i32
        %dma_start3A_160 = tpu.memref_slice %arg11[%dma_start3A_158, %dma_start3A_159] : memref<25088x16xf32, #tpu.memory_space<vmem_shared>> -> memref<25088x16xf32, #tpu.memory_space<vmem_shared>>
        tpu.enqueue_indirect_dma source(%dma_start3A_154 : memref<128x16xf32, #tpu.memory_space<vmem>>) target(%dma_start3A_160 : memref<25088x16xf32, #tpu.memory_space<vmem_shared>>) offsets(%dma_start3A_157 : memref<128xi32, #tpu.memory_space<vmem>>) semaphore(%arg15 : memref<!tpu.dma_semaphore, #tpu.memory_space<semaphore_mem>>) {add = true}
        %mul3A_161 = arith.constant 8 : i32
        %mul3A_162 = arith.muli %add3A_25, %mul3A_161 : i32
        %add3A_163 = arith.constant 1 : i32
        %add3A_164 = arith.addi %mul3A_162, %add3A_163 : i32
        %dma_start3A_165 = arith.constant 128 : i32
        %dma_start3A_166 = arith.constant 0 : i32
        %dma_start3A_167 = tpu.memref_slice %arg10[%dma_start3A_165, %dma_start3A_166] : memref<1024x16xf32, #tpu.memory_space<vmem>> -> memref<128x16xf32, #tpu.memory_space<vmem>>
        %dma_start3A_168 = arith.constant 0 : i32
        %dma_start3A_169 = tpu.memref_slice %arg8[%add3A_164, %dma_start3A_168] : memref<16x128xi32, #tpu.memory_space<vmem>> -> memref<1x128xi32, #tpu.memory_space<vmem>>
        %dma_start3A_170 = tpu.memref_squeeze %dma_start3A_169 : memref<1x128xi32, #tpu.memory_space<vmem>> -> memref<128xi32, #tpu.memory_space<vmem>>
        %dma_start3A_171 = arith.constant 0 : i32
        %dma_start3A_172 = arith.constant 0 : i32
        %dma_start3A_173 = tpu.memref_slice %arg11[%dma_start3A_171, %dma_start3A_172] : memref<25088x16xf32, #tpu.memory_space<vmem_shared>> -> memref<25088x16xf32, #tpu.memory_space<vmem_shared>>
        tpu.enqueue_indirect_dma source(%dma_start3A_167 : memref<128x16xf32, #tpu.memory_space<vmem>>) target(%dma_start3A_173 : memref<25088x16xf32, #tpu.memory_space<vmem_shared>>) offsets(%dma_start3A_170 : memref<128xi32, #tpu.memory_space<vmem>>) semaphore(%arg15 : memref<!tpu.dma_semaphore, #tpu.memory_space<semaphore_mem>>) {add = true}
        %mul3A_174 = arith.constant 8 : i32
        %mul3A_175 = arith.muli %add3A_25, %mul3A_174 : i32
        %add3A_176 = arith.constant 2 : i32
        %add3A_177 = arith.addi %mul3A_175, %add3A_176 : i32
        %dma_start3A_178 = arith.constant 256 : i32
        %dma_start3A_179 = arith.constant 0 : i32
        %dma_start3A_180 = tpu.memref_slice %arg10[%dma_start3A_178, %dma_start3A_179] : memref<1024x16xf32, #tpu.memory_space<vmem>> -> memref<128x16xf32, #tpu.memory_space<vmem>>
        %dma_start3A_181 = arith.constant 0 : i32
        %dma_start3A_182 = tpu.memref_slice %arg8[%add3A_177, %dma_start3A_181] : memref<16x128xi32, #tpu.memory_space<vmem>> -> memref<1x128xi32, #tpu.memory_space<vmem>>
        %dma_start3A_183 = tpu.memref_squeeze %dma_start3A_182 : memref<1x128xi32, #tpu.memory_space<vmem>> -> memref<128xi32, #tpu.memory_space<vmem>>
        %dma_start3A_184 = arith.constant 0 : i32
        %dma_start3A_185 = arith.constant 0 : i32
        %dma_start3A_186 = tpu.memref_slice %arg11[%dma_start3A_184, %dma_start3A_185] : memref<25088x16xf32, #tpu.memory_space<vmem_shared>> -> memref<25088x16xf32, #tpu.memory_space<vmem_shared>>
        tpu.enqueue_indirect_dma source(%dma_start3A_180 : memref<128x16xf32, #tpu.memory_space<vmem>>) target(%dma_start3A_186 : memref<25088x16xf32, #tpu.memory_space<vmem_shared>>) offsets(%dma_start3A_183 : memref<128xi32, #tpu.memory_space<vmem>>) semaphore(%arg15 : memref<!tpu.dma_semaphore, #tpu.memory_space<semaphore_mem>>) {add = true}
        %mul3A_187 = arith.constant 8 : i32
        %mul3A_188 = arith.muli %add3A_25, %mul3A_187 : i32
        %add3A_189 = arith.constant 3 : i32
        %add3A_190 = arith.addi %mul3A_188, %add3A_189 : i32
        %dma_start3A_191 = arith.constant 384 : i32
        %dma_start3A_192 = arith.constant 0 : i32
        %dma_start3A_193 = tpu.memref_slice %arg10[%dma_start3A_191, %dma_start3A_192] : memref<1024x16xf32, #tpu.memory_space<vmem>> -> memref<128x16xf32, #tpu.memory_space<vmem>>
        %dma_start3A_194 = arith.constant 0 : i32
        %dma_start3A_195 = tpu.memref_slice %arg8[%add3A_190, %dma_start3A_194] : memref<16x128xi32, #tpu.memory_space<vmem>> -> memref<1x128xi32, #tpu.memory_space<vmem>>
        %dma_start3A_196 = tpu.memref_squeeze %dma_start3A_195 : memref<1x128xi32, #tpu.memory_space<vmem>> -> memref<128xi32, #tpu.memory_space<vmem>>
        %dma_start3A_197 = arith.constant 0 : i32
        %dma_start3A_198 = arith.constant 0 : i32
        %dma_start3A_199 = tpu.memref_slice %arg11[%dma_start3A_197, %dma_start3A_198] : memref<25088x16xf32, #tpu.memory_space<vmem_shared>> -> memref<25088x16xf32, #tpu.memory_space<vmem_shared>>
        tpu.enqueue_indirect_dma source(%dma_start3A_193 : memref<128x16xf32, #tpu.memory_space<vmem>>) target(%dma_start3A_199 : memref<25088x16xf32, #tpu.memory_space<vmem_shared>>) offsets(%dma_start3A_196 : memref<128xi32, #tpu.memory_space<vmem>>) semaphore(%arg15 : memref<!tpu.dma_semaphore, #tpu.memory_space<semaphore_mem>>) {add = true}
        %mul3A_200 = arith.constant 8 : i32
        %mul3A_201 = arith.muli %add3A_25, %mul3A_200 : i32
        %add3A_202 = arith.constant 4 : i32
        %add3A_203 = arith.addi %mul3A_201, %add3A_202 : i32
        %dma_start3A_204 = arith.constant 512 : i32
        %dma_start3A_205 = arith.constant 0 : i32
        %dma_start3A_206 = tpu.memref_slice %arg10[%dma_start3A_204, %dma_start3A_205] : memref<1024x16xf32, #tpu.memory_space<vmem>> -> memref<128x16xf32, #tpu.memory_space<vmem>>
        %dma_start3A_207 = arith.constant 0 : i32
        %dma_start3A_208 = tpu.memref_slice %arg8[%add3A_203, %dma_start3A_207] : memref<16x128xi32, #tpu.memory_space<vmem>> -> memref<1x128xi32, #tpu.memory_space<vmem>>
        %dma_start3A_209 = tpu.memref_squeeze %dma_start3A_208 : memref<1x128xi32, #tpu.memory_space<vmem>> -> memref<128xi32, #tpu.memory_space<vmem>>
        %dma_start3A_210 = arith.constant 0 : i32
        %dma_start3A_211 = arith.constant 0 : i32
        %dma_start3A_212 = tpu.memref_slice %arg11[%dma_start3A_210, %dma_start3A_211] : memref<25088x16xf32, #tpu.memory_space<vmem_shared>> -> memref<25088x16xf32, #tpu.memory_space<vmem_shared>>
        tpu.enqueue_indirect_dma source(%dma_start3A_206 : memref<128x16xf32, #tpu.memory_space<vmem>>) target(%dma_start3A_212 : memref<25088x16xf32, #tpu.memory_space<vmem_shared>>) offsets(%dma_start3A_209 : memref<128xi32, #tpu.memory_space<vmem>>) semaphore(%arg15 : memref<!tpu.dma_semaphore, #tpu.memory_space<semaphore_mem>>) {add = true}
        %mul3A_213 = arith.constant 8 : i32
        %mul3A_214 = arith.muli %add3A_25, %mul3A_213 : i32
        %add3A_215 = arith.constant 5 : i32
        %add3A_216 = arith.addi %mul3A_214, %add3A_215 : i32
        %dma_start3A_217 = arith.constant 640 : i32
        %dma_start3A_218 = arith.constant 0 : i32
        %dma_start3A_219 = tpu.memref_slice %arg10[%dma_start3A_217, %dma_start3A_218] : memref<1024x16xf32, #tpu.memory_space<vmem>> -> memref<128x16xf32, #tpu.memory_space<vmem>>
        %dma_start3A_220 = arith.constant 0 : i32
        %dma_start3A_221 = tpu.memref_slice %arg8[%add3A_216, %dma_start3A_220] : memref<16x128xi32, #tpu.memory_space<vmem>> -> memref<1x128xi32, #tpu.memory_space<vmem>>
        %dma_start3A_222 = tpu.memref_squeeze %dma_start3A_221 : memref<1x128xi32, #tpu.memory_space<vmem>> -> memref<128xi32, #tpu.memory_space<vmem>>
        %dma_start3A_223 = arith.constant 0 : i32
        %dma_start3A_224 = arith.constant 0 : i32
        %dma_start3A_225 = tpu.memref_slice %arg11[%dma_start3A_223, %dma_start3A_224] : memref<25088x16xf32, #tpu.memory_space<vmem_shared>> -> memref<25088x16xf32, #tpu.memory_space<vmem_shared>>
        tpu.enqueue_indirect_dma source(%dma_start3A_219 : memref<128x16xf32, #tpu.memory_space<vmem>>) target(%dma_start3A_225 : memref<25088x16xf32, #tpu.memory_space<vmem_shared>>) offsets(%dma_start3A_222 : memref<128xi32, #tpu.memory_space<vmem>>) semaphore(%arg15 : memref<!tpu.dma_semaphore, #tpu.memory_space<semaphore_mem>>) {add = true}
        %mul3A_226 = arith.constant 8 : i32
        %mul3A_227 = arith.muli %add3A_25, %mul3A_226 : i32
        %add3A_228 = arith.constant 6 : i32
        %add3A_229 = arith.addi %mul3A_227, %add3A_228 : i32
        %dma_start3A_230 = arith.constant 768 : i32
        %dma_start3A_231 = arith.constant 0 : i32
        %dma_start3A_232 = tpu.memref_slice %arg10[%dma_start3A_230, %dma_start3A_231] : memref<1024x16xf32, #tpu.memory_space<vmem>> -> memref<128x16xf32, #tpu.memory_space<vmem>>
        %dma_start3A_233 = arith.constant 0 : i32
        %dma_start3A_234 = tpu.memref_slice %arg8[%add3A_229, %dma_start3A_233] : memref<16x128xi32, #tpu.memory_space<vmem>> -> memref<1x128xi32, #tpu.memory_space<vmem>>
        %dma_start3A_235 = tpu.memref_squeeze %dma_start3A_234 : memref<1x128xi32, #tpu.memory_space<vmem>> -> memref<128xi32, #tpu.memory_space<vmem>>
        %dma_start3A_236 = arith.constant 0 : i32
        %dma_start3A_237 = arith.constant 0 : i32
        %dma_start3A_238 = tpu.memref_slice %arg11[%dma_start3A_236, %dma_start3A_237] : memref<25088x16xf32, #tpu.memory_space<vmem_shared>> -> memref<25088x16xf32, #tpu.memory_space<vmem_shared>>
        tpu.enqueue_indirect_dma source(%dma_start3A_232 : memref<128x16xf32, #tpu.memory_space<vmem>>) target(%dma_start3A_238 : memref<25088x16xf32, #tpu.memory_space<vmem_shared>>) offsets(%dma_start3A_235 : memref<128xi32, #tpu.memory_space<vmem>>) semaphore(%arg15 : memref<!tpu.dma_semaphore, #tpu.memory_space<semaphore_mem>>) {add = true}
        %mul3A_239 = arith.constant 8 : i32
        %mul3A_240 = arith.muli %add3A_25, %mul3A_239 : i32
        %add3A_241 = arith.constant 7 : i32
        %add3A_242 = arith.addi %mul3A_240, %add3A_241 : i32
        %dma_start3A_243 = arith.constant 896 : i32
        %dma_start3A_244 = arith.constant 0 : i32
        %dma_start3A_245 = tpu.memref_slice %arg10[%dma_start3A_243, %dma_start3A_244] : memref<1024x16xf32, #tpu.memory_space<vmem>> -> memref<128x16xf32, #tpu.memory_space<vmem>>
        %dma_start3A_246 = arith.constant 0 : i32
        %dma_start3A_247 = tpu.memref_slice %arg8[%add3A_242, %dma_start3A_246] : memref<16x128xi32, #tpu.memory_space<vmem>> -> memref<1x128xi32, #tpu.memory_space<vmem>>
        %dma_start3A_248 = tpu.memref_squeeze %dma_start3A_247 : memref<1x128xi32, #tpu.memory_space<vmem>> -> memref<128xi32, #tpu.memory_space<vmem>>
        %dma_start3A_249 = arith.constant 0 : i32
        %dma_start3A_250 = arith.constant 0 : i32
        %dma_start3A_251 = tpu.memref_slice %arg11[%dma_start3A_249, %dma_start3A_250] : memref<25088x16xf32, #tpu.memory_space<vmem_shared>> -> memref<25088x16xf32, #tpu.memory_space<vmem_shared>>
        tpu.enqueue_indirect_dma source(%dma_start3A_245 : memref<128x16xf32, #tpu.memory_space<vmem>>) target(%dma_start3A_251 : memref<25088x16xf32, #tpu.memory_space<vmem_shared>>) offsets(%dma_start3A_248 : memref<128xi32, #tpu.memory_space<vmem>>) semaphore(%arg15 : memref<!tpu.dma_semaphore, #tpu.memory_space<semaphore_mem>>) {add = true}
        %dma_wait3A_252 = arith.constant 0 : i32
        %dma_wait3A_253 = arith.constant 0 : i32
        %dma_wait3A_254 = tpu.memref_slice %arg2[%dma_wait3A_252, %dma_wait3A_253] : memref<25088x16xf32, #tpu.memory_space<hbm>> -> memref<1024x16xf32, #tpu.memory_space<hbm>>
        %dma_wait3A_255 = arith.constant 0 : i32
        %dma_wait3A_256 = arith.constant 0 : i32
        %dma_wait3A_257 = tpu.memref_slice %arg2[%dma_wait3A_255, %dma_wait3A_256] : memref<25088x16xf32, #tpu.memory_space<hbm>> -> memref<1024x16xf32, #tpu.memory_space<hbm>>
        tpu.wait_dma2 semaphore(%arg14 : memref<!tpu.dma_semaphore, #tpu.memory_space<semaphore_mem>>) src(%dma_wait3A_257 : memref<1024x16xf32, #tpu.memory_space<hbm>>) dst(%arg9 : memref<1024x16xf32, #tpu.memory_space<vmem>>)
        %dma_wait3A_258 = arith.constant 0 : i32
        %dma_wait3A_259 = arith.constant 0 : i32
        %dma_wait3A_260 = tpu.memref_slice %arg2[%dma_wait3A_258, %dma_wait3A_259] : memref<25088x16xf32, #tpu.memory_space<hbm>> -> memref<1024x16xf32, #tpu.memory_space<hbm>>
        %dma_wait3A_261 = arith.constant 0 : i32
        %dma_wait3A_262 = arith.constant 0 : i32
        %dma_wait3A_263 = tpu.memref_slice %arg2[%dma_wait3A_261, %dma_wait3A_262] : memref<25088x16xf32, #tpu.memory_space<hbm>> -> memref<1024x16xf32, #tpu.memory_space<hbm>>
        tpu.wait_dma2 semaphore(%arg15 : memref<!tpu.dma_semaphore, #tpu.memory_space<semaphore_mem>>) src(%dma_wait3A_263 : memref<1024x16xf32, #tpu.memory_space<hbm>>) dst(%arg10 : memref<1024x16xf32, #tpu.memory_space<vmem>>)
      }
      %scan3A_20 = arith.constant 10 : i32
    } else {
    }
    %barrier3A_3 = arith.constant 0 : index
    tpu.barrier barrier_id(%barrier3A_3)
    %mul3A_4 = arith.constant 1568 : i32
    %mul3A_5 = arith.muli %arg1, %mul3A_4 : i32
    %mul3A_6 = arith.constant 25088 : i32
    %mul3A_7 = arith.muli %arg0, %mul3A_6 : i32
    %mul3A_8 = arith.constant 1568 : i32
    %mul3A_9 = arith.muli %arg1, %mul3A_8 : i32
    %add3A = arith.addi %mul3A_7, %mul3A_9 : i32
    "tpu.region"() ({
      %run_scoped3A = tpu.sem_alloc : memref<!tpu.dma_semaphore, #tpu.memory_space<semaphore_mem>>
      %dma_start3A = arith.constant 0 : i32
      %dma_start3A_10 = tpu.memref_slice %arg6[%add3A, %dma_start3A] : memref<50176x16xf32, #tpu.memory_space<hbm>> -> memref<1568x16xf32, #tpu.memory_space<hbm>>
      %dma_start3A_11 = arith.constant 0 : i32
      %dma_start3A_12 = tpu.memref_slice %arg11[%mul3A_5, %dma_start3A_11] : memref<25088x16xf32, #tpu.memory_space<vmem_shared>> -> memref<1568x16xf32, #tpu.memory_space<vmem_shared>>
      tpu.enqueue_dma source(%dma_start3A_12 : memref<1568x16xf32, #tpu.memory_space<vmem_shared>>) target(%dma_start3A_10 : memref<1568x16xf32, #tpu.memory_space<hbm>>) target_semaphore(%run_scoped3A : memref<!tpu.dma_semaphore, #tpu.memory_space<semaphore_mem>>)
      %dma_wait3A = arith.constant 0 : i32
      %dma_wait3A_13 = tpu.memref_slice %arg6[%add3A, %dma_wait3A] : memref<50176x16xf32, #tpu.memory_space<hbm>> -> memref<1568x16xf32, #tpu.memory_space<hbm>>
      %dma_wait3A_14 = arith.constant 0 : i32
      %dma_wait3A_15 = tpu.memref_slice %arg11[%mul3A_5, %dma_wait3A_14] : memref<25088x16xf32, #tpu.memory_space<vmem_shared>> -> memref<1568x16xf32, #tpu.memory_space<vmem_shared>>
      tpu.wait_dma2 semaphore(%run_scoped3A : memref<!tpu.dma_semaphore, #tpu.memory_space<semaphore_mem>>) src(%dma_wait3A_15 : memref<1568x16xf32, #tpu.memory_space<vmem_shared>>) dst(%dma_wait3A_13 : memref<1568x16xf32, #tpu.memory_space<hbm>>)
      tpu.yield
    }) : () -> ()
    return
  }
}

#map = affine_map<(d0, d1) -> (0, 0)>
#map1 = affine_map<(d0, d1) -> (0)>
module attributes {stable_mosaic.version = 14 : i64} {
  func.func @k(%arg0: i32, %arg1: i32, %arg2: memref<25088x16xf32, #tpu.memory_space<hbm>>, %arg3: memref<327680xi32, #tpu.memory_space<hbm>>, %arg4: memref<2560x128xi32, #tpu.memory_space<hbm>>, %arg5: memref<1568x16xf32, #tpu.memory_space<hbm>>, %arg6: memref<50176x16xf32, #tpu.memory_space<hbm>>, %arg7: memref<2048xi32, #tpu.memory_space<vmem>>, %arg8: memref<16x128xi32, #tpu.memory_space<vmem>>, %arg9: memref<1024x16xf32, #tpu.memory_space<vmem>>, %arg10: memref<1024x16xf32, #tpu.memory_space<vmem>>, %arg11: memref<25088x16xf32, #tpu.memory_space<vmem_shared>>, %arg12: memref<!tpu.dma_semaphore, #tpu.memory_space<semaphore_mem>>, %arg13: memref<!tpu.dma_semaphore, #tpu.memory_space<semaphore_mem>>, %arg14: memref<!tpu.dma_semaphore, #tpu.memory_space<semaphore_mem>>, %arg15: memref<!tpu.dma_semaphore, #tpu.memory_space<semaphore_mem>>) attributes {dimension_semantics = [#tpu.dimension_semantics<core_parallel>, #tpu.dimension_semantics<subcore_parallel>], iteration_bounds = array<i64: 2, 16>, scalar_prefetch = 0 : i64, scratch_operands = 9 : i64, tpu.core_type = #tpu.core_type<sc_vector_subcore>, window_params = [{transform_indices = #map}, {transform_indices = #map1}, {transform_indices = #map}, {transform_indices = #map}, {transform_indices = #map}]} {
    %mul3A = arith.constant 1568 : i32
    %mul3A_0 = arith.muli %arg1, %mul3A : i32
    "tpu.region"() ({
      %run_scoped3A = tpu.sem_alloc : memref<!tpu.dma_semaphore, #tpu.memory_space<semaphore_mem>>
      %dma_start3A = arith.constant 0 : i32
      %dma_start3A_10 = tpu.memref_slice %arg11[%mul3A_0, %dma_start3A] : memref<25088x16xf32, #tpu.memory_space<vmem_shared>> -> memref<1568x16xf32, #tpu.memory_space<vmem_shared>>
      tpu.enqueue_dma source(%arg5 : memref<1568x16xf32, #tpu.memory_space<hbm>>) target(%dma_start3A_10 : memref<1568x16xf32, #tpu.memory_space<vmem_shared>>) target_semaphore(%run_scoped3A : memref<!tpu.dma_semaphore, #tpu.memory_space<semaphore_mem>>)
      %dma_wait3A = arith.constant 0 : i32
      %dma_wait3A_11 = tpu.memref_slice %arg11[%mul3A_0, %dma_wait3A] : memref<25088x16xf32, #tpu.memory_space<vmem_shared>> -> memref<1568x16xf32, #tpu.memory_space<vmem_shared>>
      tpu.wait_dma2 semaphore(%run_scoped3A : memref<!tpu.dma_semaphore, #tpu.memory_space<semaphore_mem>>) src(%arg5 : memref<1568x16xf32, #tpu.memory_space<hbm>>) dst(%dma_wait3A_11 : memref<1568x16xf32, #tpu.memory_space<vmem_shared>>)
      tpu.yield
    }) : () -> ()
    %barrier3A = arith.constant 0 : index
    tpu.barrier barrier_id(%barrier3A)
    %eq3A = arith.constant 0 : i32
    %eq3A_1 = arith.cmpi eq, %arg0, %eq3A : i32
    %convert_element_type3A = arith.extui %eq3A_1 : i1 to i32
    %cond3A = arith.constant 0 : i32
    %cond3A_2 = arith.cmpi ne, %convert_element_type3A, %cond3A : i32
    scf.if %cond3A_2 {
      %mul3A_10 = arith.constant 20 : i32
      %mul3A_11 = arith.muli %arg1, %mul3A_10 : i32
      %mul3A_12 = arith.constant 1024 : i32
      %mul3A_13 = arith.muli %mul3A_11, %mul3A_12 : i32
      "tpu.region"() ({
        %run_scoped3A = tpu.sem_alloc : memref<!tpu.dma_semaphore, #tpu.memory_space<semaphore_mem>>
        %dma_start3A = arith.constant 0 : i32
        %dma_start3A_21 = tpu.memref_slice %arg7[%dma_start3A] : memref<2048xi32, #tpu.memory_space<vmem>> -> memref<20480xi32, #tpu.memory_space<vmem>>
        %dma_start3A_22 = tpu.memref_slice %arg3[%mul3A_13] : memref<327680xi32, #tpu.memory_space<hbm>> -> memref<20480xi32, #tpu.memory_space<hbm>>
        %dma_start3A_23 = arith.constant 0 : i32
        %dma_start3A_24 = tpu.memref_slice %arg7[%dma_start3A_23] : memref<2048xi32, #tpu.memory_space<vmem>> -> memref<20480xi32, #tpu.memory_space<vmem>>
        %dma_start3A_25 = tpu.memref_slice %arg3[%mul3A_13] : memref<327680xi32, #tpu.memory_space<hbm>> -> memref<20480xi32, #tpu.memory_space<hbm>>
        tpu.enqueue_dma source(%dma_start3A_25 : memref<20480xi32, #tpu.memory_space<hbm>>) target(%dma_start3A_24 : memref<20480xi32, #tpu.memory_space<vmem>>) target_semaphore(%run_scoped3A : memref<!tpu.dma_semaphore, #tpu.memory_space<semaphore_mem>>)
        %dma_wait3A = arith.constant 0 : i32
        %dma_wait3A_26 = tpu.memref_slice %arg7[%dma_wait3A] : memref<2048xi32, #tpu.memory_space<vmem>> -> memref<20480xi32, #tpu.memory_space<vmem>>
        %dma_wait3A_27 = tpu.memref_slice %arg3[%mul3A_13] : memref<327680xi32, #tpu.memory_space<hbm>> -> memref<20480xi32, #tpu.memory_space<hbm>>
        %dma_wait3A_28 = arith.constant 0 : i32
        %dma_wait3A_29 = tpu.memref_slice %arg7[%dma_wait3A_28] : memref<2048xi32, #tpu.memory_space<vmem>> -> memref<20480xi32, #tpu.memory_space<vmem>>
        %dma_wait3A_30 = tpu.memref_slice %arg3[%mul3A_13] : memref<327680xi32, #tpu.memory_space<hbm>> -> memref<20480xi32, #tpu.memory_space<hbm>>
        tpu.wait_dma2 semaphore(%run_scoped3A : memref<!tpu.dma_semaphore, #tpu.memory_space<semaphore_mem>>) src(%dma_wait3A_30 : memref<20480xi32, #tpu.memory_space<hbm>>) dst(%dma_wait3A_29 : memref<20480xi32, #tpu.memory_space<vmem>>)
        tpu.yield
      }) : () -> ()
      %mul3A_14 = arith.constant 8 : i32
      %mul3A_15 = arith.muli %mul3A_11, %mul3A_14 : i32
      "tpu.region"() ({
        %run_scoped3A = tpu.sem_alloc : memref<!tpu.dma_semaphore, #tpu.memory_space<semaphore_mem>>
        %dma_start3A = arith.constant 0 : i32
        %dma_start3A_21 = arith.constant 0 : i32
        %dma_start3A_22 = tpu.memref_slice %arg8[%dma_start3A, %dma_start3A_21] : memref<16x128xi32, #tpu.memory_space<vmem>> -> memref<160x128xi32, #tpu.memory_space<vmem>>
        %dma_start3A_23 = arith.constant 0 : i32
        %dma_start3A_24 = tpu.memref_slice %arg4[%mul3A_15, %dma_start3A_23] : memref<2560x128xi32, #tpu.memory_space<hbm>> -> memref<160x128xi32, #tpu.memory_space<hbm>>
        %dma_start3A_25 = arith.constant 0 : i32
        %dma_start3A_26 = arith.constant 0 : i32
        %dma_start3A_27 = tpu.memref_slice %arg8[%dma_start3A_25, %dma_start3A_26] : memref<16x128xi32, #tpu.memory_space<vmem>> -> memref<160x128xi32, #tpu.memory_space<vmem>>
        %dma_start3A_28 = arith.constant 0 : i32
        %dma_start3A_29 = tpu.memref_slice %arg4[%mul3A_15, %dma_start3A_28] : memref<2560x128xi32, #tpu.memory_space<hbm>> -> memref<160x128xi32, #tpu.memory_space<hbm>>
        tpu.enqueue_dma source(%dma_start3A_29 : memref<160x128xi32, #tpu.memory_space<hbm>>) target(%dma_start3A_27 : memref<160x128xi32, #tpu.memory_space<vmem>>) target_semaphore(%run_scoped3A : memref<!tpu.dma_semaphore, #tpu.memory_space<semaphore_mem>>)
        %dma_wait3A = arith.constant 0 : i32
        %dma_wait3A_30 = arith.constant 0 : i32
        %dma_wait3A_31 = tpu.memref_slice %arg8[%dma_wait3A, %dma_wait3A_30] : memref<16x128xi32, #tpu.memory_space<vmem>> -> memref<160x128xi32, #tpu.memory_space<vmem>>
        %dma_wait3A_32 = arith.constant 0 : i32
        %dma_wait3A_33 = tpu.memref_slice %arg4[%mul3A_15, %dma_wait3A_32] : memref<2560x128xi32, #tpu.memory_space<hbm>> -> memref<160x128xi32, #tpu.memory_space<hbm>>
        %dma_wait3A_34 = arith.constant 0 : i32
        %dma_wait3A_35 = arith.constant 0 : i32
        %dma_wait3A_36 = tpu.memref_slice %arg8[%dma_wait3A_34, %dma_wait3A_35] : memref<16x128xi32, #tpu.memory_space<vmem>> -> memref<160x128xi32, #tpu.memory_space<vmem>>
        %dma_wait3A_37 = arith.constant 0 : i32
        %dma_wait3A_38 = tpu.memref_slice %arg4[%mul3A_15, %dma_wait3A_37] : memref<2560x128xi32, #tpu.memory_space<hbm>> -> memref<160x128xi32, #tpu.memory_space<hbm>>
        tpu.wait_dma2 semaphore(%run_scoped3A : memref<!tpu.dma_semaphore, #tpu.memory_space<semaphore_mem>>) src(%dma_wait3A_38 : memref<160x128xi32, #tpu.memory_space<hbm>>) dst(%dma_wait3A_36 : memref<160x128xi32, #tpu.memory_space<vmem>>)
        tpu.yield
      }) : () -> ()
      %scan3A = arith.constant 0 : i32
      %scan3A_16 = arith.constant 0 : i32
      %scan3A_17 = arith.constant 10 : i32
      %scan3A_18 = arith.addi %scan3A_16, %scan3A_17 : i32
      %scan3A_19 = arith.constant 1 : i32
      scf.for %scan3A_21 = %scan3A_16 to %scan3A_18 step %scan3A_19  : i32 {
        %mul3A_22 = arith.constant 2 : i32
        %mul3A_23 = arith.muli %mul3A_22, %scan3A_21 : i32
        %add3A_24 = arith.constant 1 : i32
        %add3A_25 = arith.addi %mul3A_23, %add3A_24 : i32
        %mul3A_26 = arith.constant 1024 : i32
        %mul3A_27 = arith.muli %mul3A_23, %mul3A_26 : i32
        %dma_start3A = tpu.memref_slice %arg7[%mul3A_27] : memref<2048xi32, #tpu.memory_space<vmem>> -> memref<1024xi32, #tpu.memory_space<vmem>>
        %dma_start3A_28 = arith.constant 0 : i32
        %dma_start3A_29 = arith.constant 0 : i32
        %dma_start3A_30 = tpu.memref_slice %arg2[%dma_start3A_28, %dma_start3A_29] : memref<25088x16xf32, #tpu.memory_space<hbm>> -> memref<25088x16xf32, #tpu.memory_space<hbm>>
        tpu.enqueue_indirect_dma source(%dma_start3A_30 : memref<25088x16xf32, #tpu.memory_space<hbm>>) target(%arg9 : memref<1024x16xf32, #tpu.memory_space<vmem>>) offsets(%dma_start3A : memref<1024xi32, #tpu.memory_space<vmem>>) semaphore(%arg12 : memref<!tpu.dma_semaphore, #tpu.memory_space<semaphore_mem>>)
        %mul3A_31 = arith.constant 1024 : i32
        %mul3A_32 = arith.muli %add3A_25, %mul3A_31 : i32
        %dma_start3A_33 = tpu.memref_slice %arg7[%mul3A_32] : memref<2048xi32, #tpu.memory_space<vmem>> -> memref<1024xi32, #tpu.memory_space<vmem>>
        %dma_start3A_34 = arith.constant 0 : i32
        %dma_start3A_35 = arith.constant 0 : i32
        %dma_start3A_36 = tpu.memref_slice %arg2[%dma_start3A_34, %dma_start3A_35] : memref<25088x16xf32, #tpu.memory_space<hbm>> -> memref<25088x16xf32, #tpu.memory_space<hbm>>
        tpu.enqueue_indirect_dma source(%dma_start3A_36 : memref<25088x16xf32, #tpu.memory_space<hbm>>) target(%arg10 : memref<1024x16xf32, #tpu.memory_space<vmem>>) offsets(%dma_start3A_33 : memref<1024xi32, #tpu.memory_space<vmem>>) semaphore(%arg13 : memref<!tpu.dma_semaphore, #tpu.memory_space<semaphore_mem>>)
        %dma_wait3A = tpu.memref_slice %arg7[%mul3A_27] : memref<2048xi32, #tpu.memory_space<vmem>> -> memref<1024xi32, #tpu.memory_space<vmem>>
        %dma_wait3A_37 = arith.constant 0 : i32
        %dma_wait3A_38 = arith.constant 0 : i32
        %dma_wait3A_39 = tpu.memref_slice %arg2[%dma_wait3A_37, %dma_wait3A_38] : memref<25088x16xf32, #tpu.memory_space<hbm>> -> memref<25088x16xf32, #tpu.memory_space<hbm>>
        tpu.wait_indirect_dma semaphore(%arg12 : memref<!tpu.dma_semaphore, #tpu.memory_space<semaphore_mem>>) src(%dma_wait3A_39 : memref<25088x16xf32, #tpu.memory_space<hbm>>) dst(%arg9 : memref<1024x16xf32, #tpu.memory_space<vmem>>)
        %mul3A_40 = arith.constant 8 : i32
        %mul3A_41 = arith.muli %mul3A_23, %mul3A_40 : i32
        %add3A_42 = arith.constant 0 : i32
        %add3A_43 = arith.addi %mul3A_41, %add3A_42 : i32
        %dma_start3A_44 = arith.constant 0 : i32
        %dma_start3A_45 = arith.constant 0 : i32
        %dma_start3A_46 = tpu.memref_slice %arg9[%dma_start3A_44, %dma_start3A_45] : memref<1024x16xf32, #tpu.memory_space<vmem>> -> memref<128x16xf32, #tpu.memory_space<vmem>>
        %dma_start3A_47 = arith.constant 0 : i32
        %dma_start3A_48 = tpu.memref_slice %arg8[%add3A_43, %dma_start3A_47] : memref<16x128xi32, #tpu.memory_space<vmem>> -> memref<1x128xi32, #tpu.memory_space<vmem>>
        %dma_start3A_49 = tpu.memref_squeeze %dma_start3A_48 : memref<1x128xi32, #tpu.memory_space<vmem>> -> memref<128xi32, #tpu.memory_space<vmem>>
        %dma_start3A_50 = arith.constant 0 : i32
        %dma_start3A_51 = arith.constant 0 : i32
        %dma_start3A_52 = tpu.memref_slice %arg11[%dma_start3A_50, %dma_start3A_51] : memref<25088x16xf32, #tpu.memory_space<vmem_shared>> -> memref<25088x16xf32, #tpu.memory_space<vmem_shared>>
        tpu.enqueue_indirect_dma source(%dma_start3A_46 : memref<128x16xf32, #tpu.memory_space<vmem>>) target(%dma_start3A_52 : memref<25088x16xf32, #tpu.memory_space<vmem_shared>>) offsets(%dma_start3A_49 : memref<128xi32, #tpu.memory_space<vmem>>) semaphore(%arg14 : memref<!tpu.dma_semaphore, #tpu.memory_space<semaphore_mem>>) {add = true}
        %mul3A_53 = arith.constant 8 : i32
        %mul3A_54 = arith.muli %mul3A_23, %mul3A_53 : i32
        %add3A_55 = arith.constant 1 : i32
        %add3A_56 = arith.addi %mul3A_54, %add3A_55 : i32
        %dma_start3A_57 = arith.constant 128 : i32
        %dma_start3A_58 = arith.constant 0 : i32
        %dma_start3A_59 = tpu.memref_slice %arg9[%dma_start3A_57, %dma_start3A_58] : memref<1024x16xf32, #tpu.memory_space<vmem>> -> memref<128x16xf32, #tpu.memory_space<vmem>>
        %dma_start3A_60 = arith.constant 0 : i32
        %dma_start3A_61 = tpu.memref_slice %arg8[%add3A_56, %dma_start3A_60] : memref<16x128xi32, #tpu.memory_space<vmem>> -> memref<1x128xi32, #tpu.memory_space<vmem>>
        %dma_start3A_62 = tpu.memref_squeeze %dma_start3A_61 : memref<1x128xi32, #tpu.memory_space<vmem>> -> memref<128xi32, #tpu.memory_space<vmem>>
        %dma_start3A_63 = arith.constant 0 : i32
        %dma_start3A_64 = arith.constant 0 : i32
        %dma_start3A_65 = tpu.memref_slice %arg11[%dma_start3A_63, %dma_start3A_64] : memref<25088x16xf32, #tpu.memory_space<vmem_shared>> -> memref<25088x16xf32, #tpu.memory_space<vmem_shared>>
        tpu.enqueue_indirect_dma source(%dma_start3A_59 : memref<128x16xf32, #tpu.memory_space<vmem>>) target(%dma_start3A_65 : memref<25088x16xf32, #tpu.memory_space<vmem_shared>>) offsets(%dma_start3A_62 : memref<128xi32, #tpu.memory_space<vmem>>) semaphore(%arg14 : memref<!tpu.dma_semaphore, #tpu.memory_space<semaphore_mem>>) {add = true}
        %mul3A_66 = arith.constant 8 : i32
        %mul3A_67 = arith.muli %mul3A_23, %mul3A_66 : i32
        %add3A_68 = arith.constant 2 : i32
        %add3A_69 = arith.addi %mul3A_67, %add3A_68 : i32
        %dma_start3A_70 = arith.constant 256 : i32
        %dma_start3A_71 = arith.constant 0 : i32
        %dma_start3A_72 = tpu.memref_slice %arg9[%dma_start3A_70, %dma_start3A_71] : memref<1024x16xf32, #tpu.memory_space<vmem>> -> memref<128x16xf32, #tpu.memory_space<vmem>>
        %dma_start3A_73 = arith.constant 0 : i32
        %dma_start3A_74 = tpu.memref_slice %arg8[%add3A_69, %dma_start3A_73] : memref<16x128xi32, #tpu.memory_space<vmem>> -> memref<1x128xi32, #tpu.memory_space<vmem>>
        %dma_start3A_75 = tpu.memref_squeeze %dma_start3A_74 : memref<1x128xi32, #tpu.memory_space<vmem>> -> memref<128xi32, #tpu.memory_space<vmem>>
        %dma_start3A_76 = arith.constant 0 : i32
        %dma_start3A_77 = arith.constant 0 : i32
        %dma_start3A_78 = tpu.memref_slice %arg11[%dma_start3A_76, %dma_start3A_77] : memref<25088x16xf32, #tpu.memory_space<vmem_shared>> -> memref<25088x16xf32, #tpu.memory_space<vmem_shared>>
        tpu.enqueue_indirect_dma source(%dma_start3A_72 : memref<128x16xf32, #tpu.memory_space<vmem>>) target(%dma_start3A_78 : memref<25088x16xf32, #tpu.memory_space<vmem_shared>>) offsets(%dma_start3A_75 : memref<128xi32, #tpu.memory_space<vmem>>) semaphore(%arg14 : memref<!tpu.dma_semaphore, #tpu.memory_space<semaphore_mem>>) {add = true}
        %mul3A_79 = arith.constant 8 : i32
        %mul3A_80 = arith.muli %mul3A_23, %mul3A_79 : i32
        %add3A_81 = arith.constant 3 : i32
        %add3A_82 = arith.addi %mul3A_80, %add3A_81 : i32
        %dma_start3A_83 = arith.constant 384 : i32
        %dma_start3A_84 = arith.constant 0 : i32
        %dma_start3A_85 = tpu.memref_slice %arg9[%dma_start3A_83, %dma_start3A_84] : memref<1024x16xf32, #tpu.memory_space<vmem>> -> memref<128x16xf32, #tpu.memory_space<vmem>>
        %dma_start3A_86 = arith.constant 0 : i32
        %dma_start3A_87 = tpu.memref_slice %arg8[%add3A_82, %dma_start3A_86] : memref<16x128xi32, #tpu.memory_space<vmem>> -> memref<1x128xi32, #tpu.memory_space<vmem>>
        %dma_start3A_88 = tpu.memref_squeeze %dma_start3A_87 : memref<1x128xi32, #tpu.memory_space<vmem>> -> memref<128xi32, #tpu.memory_space<vmem>>
        %dma_start3A_89 = arith.constant 0 : i32
        %dma_start3A_90 = arith.constant 0 : i32
        %dma_start3A_91 = tpu.memref_slice %arg11[%dma_start3A_89, %dma_start3A_90] : memref<25088x16xf32, #tpu.memory_space<vmem_shared>> -> memref<25088x16xf32, #tpu.memory_space<vmem_shared>>
        tpu.enqueue_indirect_dma source(%dma_start3A_85 : memref<128x16xf32, #tpu.memory_space<vmem>>) target(%dma_start3A_91 : memref<25088x16xf32, #tpu.memory_space<vmem_shared>>) offsets(%dma_start3A_88 : memref<128xi32, #tpu.memory_space<vmem>>) semaphore(%arg14 : memref<!tpu.dma_semaphore, #tpu.memory_space<semaphore_mem>>) {add = true}
        %mul3A_92 = arith.constant 8 : i32
        %mul3A_93 = arith.muli %mul3A_23, %mul3A_92 : i32
        %add3A_94 = arith.constant 4 : i32
        %add3A_95 = arith.addi %mul3A_93, %add3A_94 : i32
        %dma_start3A_96 = arith.constant 512 : i32
        %dma_start3A_97 = arith.constant 0 : i32
        %dma_start3A_98 = tpu.memref_slice %arg9[%dma_start3A_96, %dma_start3A_97] : memref<1024x16xf32, #tpu.memory_space<vmem>> -> memref<128x16xf32, #tpu.memory_space<vmem>>
        %dma_start3A_99 = arith.constant 0 : i32
        %dma_start3A_100 = tpu.memref_slice %arg8[%add3A_95, %dma_start3A_99] : memref<16x128xi32, #tpu.memory_space<vmem>> -> memref<1x128xi32, #tpu.memory_space<vmem>>
        %dma_start3A_101 = tpu.memref_squeeze %dma_start3A_100 : memref<1x128xi32, #tpu.memory_space<vmem>> -> memref<128xi32, #tpu.memory_space<vmem>>
        %dma_start3A_102 = arith.constant 0 : i32
        %dma_start3A_103 = arith.constant 0 : i32
        %dma_start3A_104 = tpu.memref_slice %arg11[%dma_start3A_102, %dma_start3A_103] : memref<25088x16xf32, #tpu.memory_space<vmem_shared>> -> memref<25088x16xf32, #tpu.memory_space<vmem_shared>>
        tpu.enqueue_indirect_dma source(%dma_start3A_98 : memref<128x16xf32, #tpu.memory_space<vmem>>) target(%dma_start3A_104 : memref<25088x16xf32, #tpu.memory_space<vmem_shared>>) offsets(%dma_start3A_101 : memref<128xi32, #tpu.memory_space<vmem>>) semaphore(%arg14 : memref<!tpu.dma_semaphore, #tpu.memory_space<semaphore_mem>>) {add = true}
        %mul3A_105 = arith.constant 8 : i32
        %mul3A_106 = arith.muli %mul3A_23, %mul3A_105 : i32
        %add3A_107 = arith.constant 5 : i32
        %add3A_108 = arith.addi %mul3A_106, %add3A_107 : i32
        %dma_start3A_109 = arith.constant 640 : i32
        %dma_start3A_110 = arith.constant 0 : i32
        %dma_start3A_111 = tpu.memref_slice %arg9[%dma_start3A_109, %dma_start3A_110] : memref<1024x16xf32, #tpu.memory_space<vmem>> -> memref<128x16xf32, #tpu.memory_space<vmem>>
        %dma_start3A_112 = arith.constant 0 : i32
        %dma_start3A_113 = tpu.memref_slice %arg8[%add3A_108, %dma_start3A_112] : memref<16x128xi32, #tpu.memory_space<vmem>> -> memref<1x128xi32, #tpu.memory_space<vmem>>
        %dma_start3A_114 = tpu.memref_squeeze %dma_start3A_113 : memref<1x128xi32, #tpu.memory_space<vmem>> -> memref<128xi32, #tpu.memory_space<vmem>>
        %dma_start3A_115 = arith.constant 0 : i32
        %dma_start3A_116 = arith.constant 0 : i32
        %dma_start3A_117 = tpu.memref_slice %arg11[%dma_start3A_115, %dma_start3A_116] : memref<25088x16xf32, #tpu.memory_space<vmem_shared>> -> memref<25088x16xf32, #tpu.memory_space<vmem_shared>>
        tpu.enqueue_indirect_dma source(%dma_start3A_111 : memref<128x16xf32, #tpu.memory_space<vmem>>) target(%dma_start3A_117 : memref<25088x16xf32, #tpu.memory_space<vmem_shared>>) offsets(%dma_start3A_114 : memref<128xi32, #tpu.memory_space<vmem>>) semaphore(%arg14 : memref<!tpu.dma_semaphore, #tpu.memory_space<semaphore_mem>>) {add = true}
        %mul3A_118 = arith.constant 8 : i32
        %mul3A_119 = arith.muli %mul3A_23, %mul3A_118 : i32
        %add3A_120 = arith.constant 6 : i32
        %add3A_121 = arith.addi %mul3A_119, %add3A_120 : i32
        %dma_start3A_122 = arith.constant 768 : i32
        %dma_start3A_123 = arith.constant 0 : i32
        %dma_start3A_124 = tpu.memref_slice %arg9[%dma_start3A_122, %dma_start3A_123] : memref<1024x16xf32, #tpu.memory_space<vmem>> -> memref<128x16xf32, #tpu.memory_space<vmem>>
        %dma_start3A_125 = arith.constant 0 : i32
        %dma_start3A_126 = tpu.memref_slice %arg8[%add3A_121, %dma_start3A_125] : memref<16x128xi32, #tpu.memory_space<vmem>> -> memref<1x128xi32, #tpu.memory_space<vmem>>
        %dma_start3A_127 = tpu.memref_squeeze %dma_start3A_126 : memref<1x128xi32, #tpu.memory_space<vmem>> -> memref<128xi32, #tpu.memory_space<vmem>>
        %dma_start3A_128 = arith.constant 0 : i32
        %dma_start3A_129 = arith.constant 0 : i32
        %dma_start3A_130 = tpu.memref_slice %arg11[%dma_start3A_128, %dma_start3A_129] : memref<25088x16xf32, #tpu.memory_space<vmem_shared>> -> memref<25088x16xf32, #tpu.memory_space<vmem_shared>>
        tpu.enqueue_indirect_dma source(%dma_start3A_124 : memref<128x16xf32, #tpu.memory_space<vmem>>) target(%dma_start3A_130 : memref<25088x16xf32, #tpu.memory_space<vmem_shared>>) offsets(%dma_start3A_127 : memref<128xi32, #tpu.memory_space<vmem>>) semaphore(%arg14 : memref<!tpu.dma_semaphore, #tpu.memory_space<semaphore_mem>>) {add = true}
        %mul3A_131 = arith.constant 8 : i32
        %mul3A_132 = arith.muli %mul3A_23, %mul3A_131 : i32
        %add3A_133 = arith.constant 7 : i32
        %add3A_134 = arith.addi %mul3A_132, %add3A_133 : i32
        %dma_start3A_135 = arith.constant 896 : i32
        %dma_start3A_136 = arith.constant 0 : i32
        %dma_start3A_137 = tpu.memref_slice %arg9[%dma_start3A_135, %dma_start3A_136] : memref<1024x16xf32, #tpu.memory_space<vmem>> -> memref<128x16xf32, #tpu.memory_space<vmem>>
        %dma_start3A_138 = arith.constant 0 : i32
        %dma_start3A_139 = tpu.memref_slice %arg8[%add3A_134, %dma_start3A_138] : memref<16x128xi32, #tpu.memory_space<vmem>> -> memref<1x128xi32, #tpu.memory_space<vmem>>
        %dma_start3A_140 = tpu.memref_squeeze %dma_start3A_139 : memref<1x128xi32, #tpu.memory_space<vmem>> -> memref<128xi32, #tpu.memory_space<vmem>>
        %dma_start3A_141 = arith.constant 0 : i32
        %dma_start3A_142 = arith.constant 0 : i32
        %dma_start3A_143 = tpu.memref_slice %arg11[%dma_start3A_141, %dma_start3A_142] : memref<25088x16xf32, #tpu.memory_space<vmem_shared>> -> memref<25088x16xf32, #tpu.memory_space<vmem_shared>>
        tpu.enqueue_indirect_dma source(%dma_start3A_137 : memref<128x16xf32, #tpu.memory_space<vmem>>) target(%dma_start3A_143 : memref<25088x16xf32, #tpu.memory_space<vmem_shared>>) offsets(%dma_start3A_140 : memref<128xi32, #tpu.memory_space<vmem>>) semaphore(%arg14 : memref<!tpu.dma_semaphore, #tpu.memory_space<semaphore_mem>>) {add = true}
        %dma_wait3A_144 = tpu.memref_slice %arg7[%mul3A_32] : memref<2048xi32, #tpu.memory_space<vmem>> -> memref<1024xi32, #tpu.memory_space<vmem>>
        %dma_wait3A_145 = arith.constant 0 : i32
        %dma_wait3A_146 = arith.constant 0 : i32
        %dma_wait3A_147 = tpu.memref_slice %arg2[%dma_wait3A_145, %dma_wait3A_146] : memref<25088x16xf32, #tpu.memory_space<hbm>> -> memref<25088x16xf32, #tpu.memory_space<hbm>>
        tpu.wait_indirect_dma semaphore(%arg13 : memref<!tpu.dma_semaphore, #tpu.memory_space<semaphore_mem>>) src(%dma_wait3A_147 : memref<25088x16xf32, #tpu.memory_space<hbm>>) dst(%arg10 : memref<1024x16xf32, #tpu.memory_space<vmem>>)
        %mul3A_148 = arith.constant 8 : i32
        %mul3A_149 = arith.muli %add3A_25, %mul3A_148 : i32
        %add3A_150 = arith.constant 0 : i32
        %add3A_151 = arith.addi %mul3A_149, %add3A_150 : i32
        %dma_start3A_152 = arith.constant 0 : i32
        %dma_start3A_153 = arith.constant 0 : i32
        %dma_start3A_154 = tpu.memref_slice %arg10[%dma_start3A_152, %dma_start3A_153] : memref<1024x16xf32, #tpu.memory_space<vmem>> -> memref<128x16xf32, #tpu.memory_space<vmem>>
        %dma_start3A_155 = arith.constant 0 : i32
        %dma_start3A_156 = tpu.memref_slice %arg8[%add3A_151, %dma_start3A_155] : memref<16x128xi32, #tpu.memory_space<vmem>> -> memref<1x128xi32, #tpu.memory_space<vmem>>
        %dma_start3A_157 = tpu.memref_squeeze %dma_start3A_156 : memref<1x128xi32, #tpu.memory_space<vmem>> -> memref<128xi32, #tpu.memory_space<vmem>>
        %dma_start3A_158 = arith.constant 0 : i32
        %dma_start3A_159 = arith.constant 0 : i32
        %dma_start3A_160 = tpu.memref_slice %arg11[%dma_start3A_158, %dma_start3A_159] : memref<25088x16xf32, #tpu.memory_space<vmem_shared>> -> memref<25088x16xf32, #tpu.memory_space<vmem_shared>>
        tpu.enqueue_indirect_dma source(%dma_start3A_154 : memref<128x16xf32, #tpu.memory_space<vmem>>) target(%dma_start3A_160 : memref<25088x16xf32, #tpu.memory_space<vmem_shared>>) offsets(%dma_start3A_157 : memref<128xi32, #tpu.memory_space<vmem>>) semaphore(%arg15 : memref<!tpu.dma_semaphore, #tpu.memory_space<semaphore_mem>>) {add = true}
        %mul3A_161 = arith.constant 8 : i32
        %mul3A_162 = arith.muli %add3A_25, %mul3A_161 : i32
        %add3A_163 = arith.constant 1 : i32
        %add3A_164 = arith.addi %mul3A_162, %add3A_163 : i32
        %dma_start3A_165 = arith.constant 128 : i32
        %dma_start3A_166 = arith.constant 0 : i32
        %dma_start3A_167 = tpu.memref_slice %arg10[%dma_start3A_165, %dma_start3A_166] : memref<1024x16xf32, #tpu.memory_space<vmem>> -> memref<128x16xf32, #tpu.memory_space<vmem>>
        %dma_start3A_168 = arith.constant 0 : i32
        %dma_start3A_169 = tpu.memref_slice %arg8[%add3A_164, %dma_start3A_168] : memref<16x128xi32, #tpu.memory_space<vmem>> -> memref<1x128xi32, #tpu.memory_space<vmem>>
        %dma_start3A_170 = tpu.memref_squeeze %dma_start3A_169 : memref<1x128xi32, #tpu.memory_space<vmem>> -> memref<128xi32, #tpu.memory_space<vmem>>
        %dma_start3A_171 = arith.constant 0 : i32
        %dma_start3A_172 = arith.constant 0 : i32
        %dma_start3A_173 = tpu.memref_slice %arg11[%dma_start3A_171, %dma_start3A_172] : memref<25088x16xf32, #tpu.memory_space<vmem_shared>> -> memref<25088x16xf32, #tpu.memory_space<vmem_shared>>
        tpu.enqueue_indirect_dma source(%dma_start3A_167 : memref<128x16xf32, #tpu.memory_space<vmem>>) target(%dma_start3A_173 : memref<25088x16xf32, #tpu.memory_space<vmem_shared>>) offsets(%dma_start3A_170 : memref<128xi32, #tpu.memory_space<vmem>>) semaphore(%arg15 : memref<!tpu.dma_semaphore, #tpu.memory_space<semaphore_mem>>) {add = true}
        %mul3A_174 = arith.constant 8 : i32
        %mul3A_175 = arith.muli %add3A_25, %mul3A_174 : i32
        %add3A_176 = arith.constant 2 : i32
        %add3A_177 = arith.addi %mul3A_175, %add3A_176 : i32
        %dma_start3A_178 = arith.constant 256 : i32
        %dma_start3A_179 = arith.constant 0 : i32
        %dma_start3A_180 = tpu.memref_slice %arg10[%dma_start3A_178, %dma_start3A_179] : memref<1024x16xf32, #tpu.memory_space<vmem>> -> memref<128x16xf32, #tpu.memory_space<vmem>>
        %dma_start3A_181 = arith.constant 0 : i32
        %dma_start3A_182 = tpu.memref_slice %arg8[%add3A_177, %dma_start3A_181] : memref<16x128xi32, #tpu.memory_space<vmem>> -> memref<1x128xi32, #tpu.memory_space<vmem>>
        %dma_start3A_183 = tpu.memref_squeeze %dma_start3A_182 : memref<1x128xi32, #tpu.memory_space<vmem>> -> memref<128xi32, #tpu.memory_space<vmem>>
        %dma_start3A_184 = arith.constant 0 : i32
        %dma_start3A_185 = arith.constant 0 : i32
        %dma_start3A_186 = tpu.memref_slice %arg11[%dma_start3A_184, %dma_start3A_185] : memref<25088x16xf32, #tpu.memory_space<vmem_shared>> -> memref<25088x16xf32, #tpu.memory_space<vmem_shared>>
        tpu.enqueue_indirect_dma source(%dma_start3A_180 : memref<128x16xf32, #tpu.memory_space<vmem>>) target(%dma_start3A_186 : memref<25088x16xf32, #tpu.memory_space<vmem_shared>>) offsets(%dma_start3A_183 : memref<128xi32, #tpu.memory_space<vmem>>) semaphore(%arg15 : memref<!tpu.dma_semaphore, #tpu.memory_space<semaphore_mem>>) {add = true}
        %mul3A_187 = arith.constant 8 : i32
        %mul3A_188 = arith.muli %add3A_25, %mul3A_187 : i32
        %add3A_189 = arith.constant 3 : i32
        %add3A_190 = arith.addi %mul3A_188, %add3A_189 : i32
        %dma_start3A_191 = arith.constant 384 : i32
        %dma_start3A_192 = arith.constant 0 : i32
        %dma_start3A_193 = tpu.memref_slice %arg10[%dma_start3A_191, %dma_start3A_192] : memref<1024x16xf32, #tpu.memory_space<vmem>> -> memref<128x16xf32, #tpu.memory_space<vmem>>
        %dma_start3A_194 = arith.constant 0 : i32
        %dma_start3A_195 = tpu.memref_slice %arg8[%add3A_190, %dma_start3A_194] : memref<16x128xi32, #tpu.memory_space<vmem>> -> memref<1x128xi32, #tpu.memory_space<vmem>>
        %dma_start3A_196 = tpu.memref_squeeze %dma_start3A_195 : memref<1x128xi32, #tpu.memory_space<vmem>> -> memref<128xi32, #tpu.memory_space<vmem>>
        %dma_start3A_197 = arith.constant 0 : i32
        %dma_start3A_198 = arith.constant 0 : i32
        %dma_start3A_199 = tpu.memref_slice %arg11[%dma_start3A_197, %dma_start3A_198] : memref<25088x16xf32, #tpu.memory_space<vmem_shared>> -> memref<25088x16xf32, #tpu.memory_space<vmem_shared>>
        tpu.enqueue_indirect_dma source(%dma_start3A_193 : memref<128x16xf32, #tpu.memory_space<vmem>>) target(%dma_start3A_199 : memref<25088x16xf32, #tpu.memory_space<vmem_shared>>) offsets(%dma_start3A_196 : memref<128xi32, #tpu.memory_space<vmem>>) semaphore(%arg15 : memref<!tpu.dma_semaphore, #tpu.memory_space<semaphore_mem>>) {add = true}
        %mul3A_200 = arith.constant 8 : i32
        %mul3A_201 = arith.muli %add3A_25, %mul3A_200 : i32
        %add3A_202 = arith.constant 4 : i32
        %add3A_203 = arith.addi %mul3A_201, %add3A_202 : i32
        %dma_start3A_204 = arith.constant 512 : i32
        %dma_start3A_205 = arith.constant 0 : i32
        %dma_start3A_206 = tpu.memref_slice %arg10[%dma_start3A_204, %dma_start3A_205] : memref<1024x16xf32, #tpu.memory_space<vmem>> -> memref<128x16xf32, #tpu.memory_space<vmem>>
        %dma_start3A_207 = arith.constant 0 : i32
        %dma_start3A_208 = tpu.memref_slice %arg8[%add3A_203, %dma_start3A_207] : memref<16x128xi32, #tpu.memory_space<vmem>> -> memref<1x128xi32, #tpu.memory_space<vmem>>
        %dma_start3A_209 = tpu.memref_squeeze %dma_start3A_208 : memref<1x128xi32, #tpu.memory_space<vmem>> -> memref<128xi32, #tpu.memory_space<vmem>>
        %dma_start3A_210 = arith.constant 0 : i32
        %dma_start3A_211 = arith.constant 0 : i32
        %dma_start3A_212 = tpu.memref_slice %arg11[%dma_start3A_210, %dma_start3A_211] : memref<25088x16xf32, #tpu.memory_space<vmem_shared>> -> memref<25088x16xf32, #tpu.memory_space<vmem_shared>>
        tpu.enqueue_indirect_dma source(%dma_start3A_206 : memref<128x16xf32, #tpu.memory_space<vmem>>) target(%dma_start3A_212 : memref<25088x16xf32, #tpu.memory_space<vmem_shared>>) offsets(%dma_start3A_209 : memref<128xi32, #tpu.memory_space<vmem>>) semaphore(%arg15 : memref<!tpu.dma_semaphore, #tpu.memory_space<semaphore_mem>>) {add = true}
        %mul3A_213 = arith.constant 8 : i32
        %mul3A_214 = arith.muli %add3A_25, %mul3A_213 : i32
        %add3A_215 = arith.constant 5 : i32
        %add3A_216 = arith.addi %mul3A_214, %add3A_215 : i32
        %dma_start3A_217 = arith.constant 640 : i32
        %dma_start3A_218 = arith.constant 0 : i32
        %dma_start3A_219 = tpu.memref_slice %arg10[%dma_start3A_217, %dma_start3A_218] : memref<1024x16xf32, #tpu.memory_space<vmem>> -> memref<128x16xf32, #tpu.memory_space<vmem>>
        %dma_start3A_220 = arith.constant 0 : i32
        %dma_start3A_221 = tpu.memref_slice %arg8[%add3A_216, %dma_start3A_220] : memref<16x128xi32, #tpu.memory_space<vmem>> -> memref<1x128xi32, #tpu.memory_space<vmem>>
        %dma_start3A_222 = tpu.memref_squeeze %dma_start3A_221 : memref<1x128xi32, #tpu.memory_space<vmem>> -> memref<128xi32, #tpu.memory_space<vmem>>
        %dma_start3A_223 = arith.constant 0 : i32
        %dma_start3A_224 = arith.constant 0 : i32
        %dma_start3A_225 = tpu.memref_slice %arg11[%dma_start3A_223, %dma_start3A_224] : memref<25088x16xf32, #tpu.memory_space<vmem_shared>> -> memref<25088x16xf32, #tpu.memory_space<vmem_shared>>
        tpu.enqueue_indirect_dma source(%dma_start3A_219 : memref<128x16xf32, #tpu.memory_space<vmem>>) target(%dma_start3A_225 : memref<25088x16xf32, #tpu.memory_space<vmem_shared>>) offsets(%dma_start3A_222 : memref<128xi32, #tpu.memory_space<vmem>>) semaphore(%arg15 : memref<!tpu.dma_semaphore, #tpu.memory_space<semaphore_mem>>) {add = true}
        %mul3A_226 = arith.constant 8 : i32
        %mul3A_227 = arith.muli %add3A_25, %mul3A_226 : i32
        %add3A_228 = arith.constant 6 : i32
        %add3A_229 = arith.addi %mul3A_227, %add3A_228 : i32
        %dma_start3A_230 = arith.constant 768 : i32
        %dma_start3A_231 = arith.constant 0 : i32
        %dma_start3A_232 = tpu.memref_slice %arg10[%dma_start3A_230, %dma_start3A_231] : memref<1024x16xf32, #tpu.memory_space<vmem>> -> memref<128x16xf32, #tpu.memory_space<vmem>>
        %dma_start3A_233 = arith.constant 0 : i32
        %dma_start3A_234 = tpu.memref_slice %arg8[%add3A_229, %dma_start3A_233] : memref<16x128xi32, #tpu.memory_space<vmem>> -> memref<1x128xi32, #tpu.memory_space<vmem>>
        %dma_start3A_235 = tpu.memref_squeeze %dma_start3A_234 : memref<1x128xi32, #tpu.memory_space<vmem>> -> memref<128xi32, #tpu.memory_space<vmem>>
        %dma_start3A_236 = arith.constant 0 : i32
        %dma_start3A_237 = arith.constant 0 : i32
        %dma_start3A_238 = tpu.memref_slice %arg11[%dma_start3A_236, %dma_start3A_237] : memref<25088x16xf32, #tpu.memory_space<vmem_shared>> -> memref<25088x16xf32, #tpu.memory_space<vmem_shared>>
        tpu.enqueue_indirect_dma source(%dma_start3A_232 : memref<128x16xf32, #tpu.memory_space<vmem>>) target(%dma_start3A_238 : memref<25088x16xf32, #tpu.memory_space<vmem_shared>>) offsets(%dma_start3A_235 : memref<128xi32, #tpu.memory_space<vmem>>) semaphore(%arg15 : memref<!tpu.dma_semaphore, #tpu.memory_space<semaphore_mem>>) {add = true}
        %mul3A_239 = arith.constant 8 : i32
        %mul3A_240 = arith.muli %add3A_25, %mul3A_239 : i32
        %add3A_241 = arith.constant 7 : i32
        %add3A_242 = arith.addi %mul3A_240, %add3A_241 : i32
        %dma_start3A_243 = arith.constant 896 : i32
        %dma_start3A_244 = arith.constant 0 : i32
        %dma_start3A_245 = tpu.memref_slice %arg10[%dma_start3A_243, %dma_start3A_244] : memref<1024x16xf32, #tpu.memory_space<vmem>> -> memref<128x16xf32, #tpu.memory_space<vmem>>
        %dma_start3A_246 = arith.constant 0 : i32
        %dma_start3A_247 = tpu.memref_slice %arg8[%add3A_242, %dma_start3A_246] : memref<16x128xi32, #tpu.memory_space<vmem>> -> memref<1x128xi32, #tpu.memory_space<vmem>>
        %dma_start3A_248 = tpu.memref_squeeze %dma_start3A_247 : memref<1x128xi32, #tpu.memory_space<vmem>> -> memref<128xi32, #tpu.memory_space<vmem>>
        %dma_start3A_249 = arith.constant 0 : i32
        %dma_start3A_250 = arith.constant 0 : i32
        %dma_start3A_251 = tpu.memref_slice %arg11[%dma_start3A_249, %dma_start3A_250] : memref<25088x16xf32, #tpu.memory_space<vmem_shared>> -> memref<25088x16xf32, #tpu.memory_space<vmem_shared>>
        tpu.enqueue_indirect_dma source(%dma_start3A_245 : memref<128x16xf32, #tpu.memory_space<vmem>>) target(%dma_start3A_251 : memref<25088x16xf32, #tpu.memory_space<vmem_shared>>) offsets(%dma_start3A_248 : memref<128xi32, #tpu.memory_space<vmem>>) semaphore(%arg15 : memref<!tpu.dma_semaphore, #tpu.memory_space<semaphore_mem>>) {add = true}
        %dma_wait3A_252 = arith.constant 0 : i32
        %dma_wait3A_253 = arith.constant 0 : i32
        %dma_wait3A_254 = tpu.memref_slice %arg2[%dma_wait3A_252, %dma_wait3A_253] : memref<25088x16xf32, #tpu.memory_space<hbm>> -> memref<1024x16xf32, #tpu.memory_space<hbm>>
        %dma_wait3A_255 = arith.constant 0 : i32
        %dma_wait3A_256 = arith.constant 0 : i32
        %dma_wait3A_257 = tpu.memref_slice %arg2[%dma_wait3A_255, %dma_wait3A_256] : memref<25088x16xf32, #tpu.memory_space<hbm>> -> memref<1024x16xf32, #tpu.memory_space<hbm>>
        tpu.wait_dma2 semaphore(%arg14 : memref<!tpu.dma_semaphore, #tpu.memory_space<semaphore_mem>>) src(%dma_wait3A_257 : memref<1024x16xf32, #tpu.memory_space<hbm>>) dst(%arg9 : memref<1024x16xf32, #tpu.memory_space<vmem>>)
        %dma_wait3A_258 = arith.constant 0 : i32
        %dma_wait3A_259 = arith.constant 0 : i32
        %dma_wait3A_260 = tpu.memref_slice %arg2[%dma_wait3A_258, %dma_wait3A_259] : memref<25088x16xf32, #tpu.memory_space<hbm>> -> memref<1024x16xf32, #tpu.memory_space<hbm>>
        %dma_wait3A_261 = arith.constant 0 : i32
        %dma_wait3A_262 = arith.constant 0 : i32
        %dma_wait3A_263 = tpu.memref_slice %arg2[%dma_wait3A_261, %dma_wait3A_262] : memref<25088x16xf32, #tpu.memory_space<hbm>> -> memref<1024x16xf32, #tpu.memory_space<hbm>>
        tpu.wait_dma2 semaphore(%arg15 : memref<!tpu.dma_semaphore, #tpu.memory_space<semaphore_mem>>) src(%dma_wait3A_263 : memref<1024x16xf32, #tpu.memory_space<hbm>>) dst(%arg10 : memref<1024x16xf32, #tpu.memory_space<vmem>>)
      }
      %scan3A_20 = arith.constant 10 : i32
    } else {
    }
    %barrier3A_3 = arith.constant 0 : index
    tpu.barrier barrier_id(%barrier3A_3)
    %mul3A_4 = arith.constant 1568 : i32
    %mul3A_5 = arith.muli %arg1, %mul3A_4 : i32
    %mul3A_6 = arith.constant 25088 : i32
    %mul3A_7 = arith.muli %arg0, %mul3A_6 : i32
    %mul3A_8 = arith.constant 1568 : i32
    %mul3A_9 = arith.muli %arg1, %mul3A_8 : i32
    %add3A = arith.addi %mul3A_7, %mul3A_9 : i32
    "tpu.region"() ({
      %run_scoped3A = tpu.sem_alloc : memref<!tpu.dma_semaphore, #tpu.memory_space<semaphore_mem>>
      %dma_start3A = arith.constant 0 : i32
      %dma_start3A_10 = tpu.memref_slice %arg6[%add3A, %dma_start3A] : memref<50176x16xf32, #tpu.memory_space<hbm>> -> memref<1568x16xf32, #tpu.memory_space<hbm>>
      %dma_start3A_11 = arith.constant 0 : i32
      %dma_start3A_12 = tpu.memref_slice %arg11[%mul3A_5, %dma_start3A_11] : memref<25088x16xf32, #tpu.memory_space<vmem_shared>> -> memref<1568x16xf32, #tpu.memory_space<vmem_shared>>
      tpu.enqueue_dma source(%dma_start3A_12 : memref<1568x16xf32, #tpu.memory_space<vmem_shared>>) target(%dma_start3A_10 : memref<1568x16xf32, #tpu.memory_space<hbm>>) target_semaphore(%run_scoped3A : memref<!tpu.dma_semaphore, #tpu.memory_space<semaphore_mem>>)
      %dma_wait3A = arith.constant 0 : i32
      %dma_wait3A_13 = tpu.memref_slice %arg6[%add3A, %dma_wait3A] : memref<50176x16xf32, #tpu.memory_space<hbm>> -> memref<1568x16xf32, #tpu.memory_space<hbm>>
      %dma_wait3A_14 = arith.constant 0 : i32
      %dma_wait3A_15 = tpu.memref_slice %arg11[%mul3A_5, %dma_wait3A_14] : memref<25088x16xf32, #tpu.memory_space<vmem_shared>> -> memref<1568x16xf32, #tpu.memory_space<vmem_shared>>
      tpu.wait_dma2 semaphore(%run_scoped3A : memref<!tpu.dma_semaphore, #tpu.memory_space<semaphore_mem>>) src(%dma_wait3A_15 : memref<1568x16xf32, #tpu.memory_space<vmem_shared>>) dst(%dma_wait3A_13 : memref<1568x16xf32, #tpu.memory_space<hbm>>)
      tpu.yield
    }) : () -> ()
    return
  }
}

module attributes {stable_mosaic.version = 14 : i64} {
  func.func @_affine_body(%arg0: i32, %arg1: memref<2x3136x128xf32, #tpu.memory_space<vmem>>, %arg2: memref<3136x32xf32, #tpu.memory_space<vmem>>, %arg3: memref<128x128xf32, #tpu.memory_space<vmem>>, %arg4: memref<32x128xf32, #tpu.memory_space<vmem>>, %arg5: memref<1x128xf32, #tpu.memory_space<vmem>>, %arg6: memref<3136x128xf32, #tpu.memory_space<vmem>>) attributes {dimension_semantics = [#tpu.dimension_semantics<arbitrary>], iteration_bounds = array<i64: 1>, scalar_prefetch = 0 : i64, scratch_operands = 0 : i64, tpu.core_type = #tpu.core_type<tc>, window_params = [{pipeline_mode = #tpu.pipeline_mode<synchronous>, transform_indices = @transform_0, window_bounds = array<i64: 2, 3136, 128>}, {pipeline_mode = #tpu.pipeline_mode<synchronous>, transform_indices = @transform_1, window_bounds = array<i64: 3136, 32>}, {pipeline_mode = #tpu.pipeline_mode<synchronous>, transform_indices = @transform_2, window_bounds = array<i64: 128, 128>}, {pipeline_mode = #tpu.pipeline_mode<synchronous>, transform_indices = @transform_3, window_bounds = array<i64: 32, 128>}, {pipeline_mode = #tpu.pipeline_mode<synchronous>, transform_indices = @transform_4, window_bounds = array<i64: 1, 128>}, {pipeline_mode = #tpu.pipeline_mode<synchronous>, transform_indices = @transform_5, window_bounds = array<i64: 3136, 128>}]} {
    %get3A = arith.constant 0 : index
    %get3A_0 = arith.constant 0 : index
    %get3A_1 = arith.constant 0 : index
    %get3A_2 = vector.load %arg1[%get3A, %get3A_0, %get3A_1] : memref<2x3136x128xf32, #tpu.memory_space<vmem>>, vector<1x3136x128xf32>
    %get3A_3 = vector.shape_cast %get3A_2 : vector<1x3136x128xf32> to vector<3136x128xf32>
    %get3A_4 = arith.constant 1 : index
    %get3A_5 = arith.constant 0 : index
    %get3A_6 = arith.constant 0 : index
    %get3A_7 = vector.load %arg1[%get3A_4, %get3A_5, %get3A_6] : memref<2x3136x128xf32, #tpu.memory_space<vmem>>, vector<1x3136x128xf32>
    %get3A_8 = vector.shape_cast %get3A_7 : vector<1x3136x128xf32> to vector<3136x128xf32>
    %add3A = arith.addf %get3A_3, %get3A_8 : vector<3136x128xf32>
    %get3A_9 = arith.constant 0 : index
    %get3A_10 = arith.constant 0 : index
    %get3A_11 = vector.load %arg3[%get3A_9, %get3A_10] : memref<128x128xf32, #tpu.memory_space<vmem>>, vector<128x128xf32>
    %dot_general3A = arith.constant dense<0.000000e+00> : vector<3136x128xf32>
    %dot_general3A_12 = tpu.matmul %add3A, %get3A_11, %dot_general3A {dimension_numbers = #tpu.dot_dimension_numbers<[1], [0], [0], [1], [0, 0, 1, 1], [], []>, precision = #tpu.contract_precision<fp32>, transpose_lhs_hint = false} : vector<3136x128xf32>, vector<128x128xf32>, vector<3136x128xf32> -> vector<3136x128xf32>
    %get3A_13 = arith.constant 0 : index
    %get3A_14 = arith.constant 0 : index
    %get3A_15 = vector.load %arg2[%get3A_13, %get3A_14] : memref<3136x32xf32, #tpu.memory_space<vmem>>, vector<3136x32xf32>
    %get3A_16 = arith.constant 0 : index
    %get3A_17 = arith.constant 0 : index
    %get3A_18 = vector.load %arg4[%get3A_16, %get3A_17] : memref<32x128xf32, #tpu.memory_space<vmem>>, vector<32x128xf32>
    %dot_general3A_19 = arith.constant dense<0.000000e+00> : vector<3136x128xf32>
    %dot_general3A_20 = tpu.matmul %get3A_15, %get3A_18, %dot_general3A_19 {dimension_numbers = #tpu.dot_dimension_numbers<[1], [0], [0], [1], [0, 0, 1, 1], [], []>, precision = #tpu.contract_precision<fp32>, transpose_lhs_hint = false} : vector<3136x32xf32>, vector<32x128xf32>, vector<3136x128xf32> -> vector<3136x128xf32>
    %add3A_21 = arith.addf %dot_general3A_12, %dot_general3A_20 : vector<3136x128xf32>
    %get3A_22 = arith.constant 0 : index
    %get3A_23 = arith.constant 0 : index
    %get3A_24 = vector.load %arg5[%get3A_22, %get3A_23] : memref<1x128xf32, #tpu.memory_space<vmem>>, vector<1x128xf32>
    %add3A_25 = vector.broadcast %get3A_24 : vector<1x128xf32> to vector<3136x128xf32>
    %add3A_26 = arith.addf %add3A_21, %add3A_25 : vector<3136x128xf32>
    %swap3A = arith.constant 0 : index
    %swap3A_27 = arith.constant 0 : index
    %swap3A_28 = vector.load %arg6[%swap3A, %swap3A_27] : memref<3136x128xf32, #tpu.memory_space<vmem>>, vector<3136x128xf32>
    tpu.vector_store %arg6[%swap3A, %swap3A_27], %add3A_26 {strides = array<i32>} : memref<3136x128xf32, #tpu.memory_space<vmem>>, vector<3136x128xf32>,
    return
  }
  func.func @transform_0(%arg0: i32) -> (i32, i32, i32) {
    %c0_i32 = arith.constant 0 : i32
    %c0_i32_0 = arith.constant 0 : i32
    %c0_i32_1 = arith.constant 0 : i32
    %c0_i32_2 = arith.constant 0 : i32
    return %c0_i32, %c0_i32_0, %c0_i32_1 : i32, i32, i32
  }
  func.func @transform_1(%arg0: i32) -> (i32, i32) {
    %c0_i32 = arith.constant 0 : i32
    %c0_i32_0 = arith.constant 0 : i32
    %c0_i32_1 = arith.constant 0 : i32
    return %c0_i32, %c0_i32_0 : i32, i32
  }
  func.func @transform_2(%arg0: i32) -> (i32, i32) {
    %c0_i32 = arith.constant 0 : i32
    %c0_i32_0 = arith.constant 0 : i32
    %c0_i32_1 = arith.constant 0 : i32
    return %c0_i32, %c0_i32_0 : i32, i32
  }
  func.func @transform_3(%arg0: i32) -> (i32, i32) {
    %c0_i32 = arith.constant 0 : i32
    %c0_i32_0 = arith.constant 0 : i32
    %c0_i32_1 = arith.constant 0 : i32
    return %c0_i32, %c0_i32_0 : i32, i32
  }
  func.func @transform_4(%arg0: i32) -> (i32, i32) {
    %c0_i32 = arith.constant 0 : i32
    %c0_i32_0 = arith.constant 0 : i32
    %c0_i32_1 = arith.constant 0 : i32
    return %c0_i32, %c0_i32_0 : i32, i32
  }
  func.func @transform_5(%arg0: i32) -> (i32, i32) {
    %c0_i32 = arith.constant 0 : i32
    %c0_i32_0 = arith.constant 0 : i32
    %c0_i32_1 = arith.constant 0 : i32
    return %c0_i32, %c0_i32_0 : i32, i32
  }
}

</mosaic_0001>

<sc_bundles>
// kernel: kernel.6.cloned.1.call-start
scs
__scs_entry_jumppad:
0x0: {  	(pc) =	sbr.rel $0x88, $3  }
0x1: {  	(tag) =	ssettag $0x0;
	lr =	simm.s32 $0x1  }
0x2: {  	[smem:$0x3F8E] =	sst lr;
	_ =	strace $0xD0000000  }
0x3: {  	_ = 	snop  }
0x4: {  	_ = 	snop  }
0x5: {  	_ = 	snop  }
0x6: {  	_ = 	snop  }
0x7: {  	_ = 	snop  }
__scs_overlays_trampoline_lowered:
0x8: {  	[smem:$0x3F9D] =	sst s0  }
0x9: {  	[smem:$0x3F9E] =	sst s1  }
0xa: {  	[smem:$0x3F9F] =	sst s2  }
0xb: {  	[smem:$0x3FA0] =	sst s3  }
0xc: {  	[smem:$0x3FA1] =	sst s4  }
0xd: {  	[smem:$0x3FA2] =	sst s5  }
0xe: {  	[smem:$0x3FA3] =	sst s6  }
0xf: {  	[smem:$0x3FA4] =	sst s7  }
0x10: {  	[smem:$0x3FA5] =	sst s8  }
0x11: {  	[smem:$0x3FA6] =	sst s9;
	s0 =	simm.s32 @!p0 $0x0  }
0x12: {  	s1 =	sld [smem:$0x3F8C];
	s0 =	simm.s32 @p0 $0x1  }
0x13: {  	[smem:$0x3FA7] =	sst s0;
	s0 =	simm.s32 @!p1 $0x0  }
0x14: {  	s2 =	sld [smem:$0x3F8B];
	s0 =	simm.s32 @p1 $0x1  }
0x15: {  	[smem:$0x3FA8] =	sst s0;
	s0 =	simm.s32 @!p2 $0x0  }
0x16: {  	s3 =	sld [smem:$0x3FDB];
	s0 =	simm.s32 @p2 $0x1  }
0x17: {  	s4 =	simm.s32 $0x1BF5;
	[smem:$0x3FAA] =	sst s0  }
0x18: {  	s0 =	sld [smem:$0x3F8D];
	_ =	swait.ge [sflag:s4], $0x0  }
0x19: {  	s7 =	sld [smem:$0x3F8E]  }
0x1a: {  	s8 =	sadd.s32 $0xFFFFE003, lr  }
0x1b: {  	s9 =	sadd.s32 $0xFFFFFEF7, lr;
	s5 =	simm.s32 $0xFFFFFFFF;
	p2 =	slt.u32 s8, $0xFFFFF086  }
0x1c: {  	p1 =	slt.u32 s9, $0xF7A;
	s5 =	simm.s32 @!p2 $0x0  }
0x1d: {  	s5 =	simm.s32 @p1 $0x1;
	p0 =	seq.s32 s7, s2  }
0x1e: {  	s7 =	smul.u32 @!p0 $0xF7A, s2;
	p2 =	seq.s32 @!p0 s5, $0x0  }
0x1f: {  	s9 =	smul.u32 $0xF7A, s1;
	s8 =	simm.s32 @!p0 $0x1BF5;
	p2 =	por !p2, p0  }
0x20: {  	[sflag:s8] =	ssyncset.s32 @!p0 $0xFFFFF086;
	s6 =	sadd.s32 @!p0 s3, s7;
	s7 =	simm.s32 @!p0 $0x108  }
0x21: {  	s3 =	sadd.s32 s3, s9;
	s6 =	sadd.s32 @!p0 $0x88, s6;
	s7 =	simm.s32 @p2 $0x1082  }
0x22: {  	[simem:s7], [sflag:s8] =	dma.local @!p0 [hbm:s6], $0xF7A  }
0x23: {  	s9 =	sor.u32 $0xD0000000, s2;
	s6 =	simm.s32 $0x108;
	_ =	swait.ge @!p0 [sflag:s8], $0x0  }
0x24: {  	s3 =	sadd.s32 $0x88, s3;
	s6 =	simm.s32 @!p1 $0x1082;
	[sflag:s4] =	ssyncset.s32 $0xFFFFF086  }
0x25: {  	[simem:s6], [sflag:s4] =	dma.local [hbm:s3], $0xF7A  }
0x26: {  	[smem:$0x3F8E] =	sst s1;
	(tag) =	ssettag s2;
	_ =	strace s9  }
0x27: {  	s1 =	sld [smem:$0x3F9E]  }
0x28: {  	s2 =	sld [smem:$0x3F9F]  }
0x29: {  	s4 =	sld [smem:$0x3FA1]  }
0x2a: {  	p0 =	seq.s32 s5, $0x0;
	s5 =	sld [smem:$0x3FA2]  }
0x2b: {  	s6 =	sld [smem:$0x3FA3]  }
0x2c: {  	s7 =	sld [smem:$0x3FA4]  }
0x2d: {  	s3 =	simm.s32 $0x108;
	s8 =	sld [smem:$0x3FA5]  }
0x2e: {  	s3 =	simm.s32 @!p0 $0x1082;
	s9 =	sld [smem:$0x3FA6]  }
0x2f: {  	lr =	sadd.s32 s0, s3;
	s0 =	sld [smem:$0x3F9D]  }
0x30: {  	s3 =	sld [smem:$0x3FA0]  }
0x31: {  	[smem:$0x3FA9] =	sst s10  }
0x32: {  	s10 =	sld [smem:$0x3FA7];
	_ =	sdelay $0x3  }
0x33: {  	p0 =	seq.s32 s10, $0x1;
	s10 =	sld [smem:$0x3FA9];
	_ =	sdelay $0x3  }
0x34: {  	[smem:$0x3FA9] =	sst s10  }
0x35: {  	s10 =	sld [smem:$0x3FA8];
	_ =	sdelay $0x3  }
0x36: {  	p1 =	seq.s32 s10, $0x1;
	s10 =	sld [smem:$0x3FA9];
	_ =	sdelay $0x3  }
0x37: {  	[smem:$0x3FA9] =	sst s10  }
0x38: {  	s10 =	sld [smem:$0x3FAA]  }
0x39: {  	_ = 	snop;
	(pc) =	sbr.ind lr, $3  }
0x3a: {  	_ = 	snop  }
0x3b: {  	_ = 	snop  }
0x3c: {  	p2 =	seq.s32 s10, $0x1;
	s10 =	sld [smem:$0x3FA9]  }
0x3d: {  	_ =	shalt  }
0x3e: {  	_ =	shalt  }
0x3f: {  	_ =	shalt  }
0x40: {  	_ =	shalt  }
0x41: {  	_ =	shalt  }
0x42: {  	_ =	shalt  }
0x43: {  	_ =	shalt  }
0x44: {  	_ =	shalt  }
0x45: {  	_ =	shalt  }
0x46: {  	_ =	shalt  }
0x47: {  	_ =	shalt  }
0x48: {  	_ =	shalt  }
0x49: {  	_ =	shalt  }
0x4a: {  	_ =	shalt  }
0x4b: {  	_ =	shalt  }
0x4c: {  	_ =	shalt  }
0x4d: {  	_ =	shalt  }
0x4e: {  	_ =	shalt  }
0x4f: {  	_ =	shalt  }
0x50: {  	_ =	shalt  }
0x51: {  	_ =	shalt  }
0x52: {  	_ =	shalt  }
0x53: {  	_ =	shalt  }
0x54: {  	_ =	shalt  }
0x55: {  	_ =	shalt  }
0x56: {  	_ =	shalt  }
0x57: {  	_ =	shalt  }
0x58: {  	_ =	shalt  }
0x59: {  	_ =	shalt  }
0x5a: {  	_ =	shalt  }
0x5b: {  	_ =	shalt  }
0x5c: {  	_ =	shalt  }
0x5d: {  	_ =	shalt  }
0x5e: {  	_ =	shalt  }
0x5f: {  	_ =	shalt  }
0x60: {  	_ =	shalt  }
0x61: {  	_ =	shalt  }
0x62: {  	_ =	shalt  }
0x63: {  	_ =	shalt  }
0x64: {  	_ =	shalt  }
0x65: {  	_ =	shalt  }
0x66: {  	_ =	shalt  }
0x67: {  	_ =	shalt  }
0x68: {  	_ =	shalt  }
0x69: {  	_ =	shalt  }
0x6a: {  	_ =	shalt  }
0x6b: {  	_ =	shalt  }
0x6c: {  	_ =	shalt  }
0x6d: {  	_ =	shalt  }
0x6e: {  	_ =	shalt  }
0x6f: {  	_ =	shalt  }
0x70: {  	_ =	shalt  }
0x71: {  	_ =	shalt  }
0x72: {  	_ =	shalt  }
0x73: {  	_ =	shalt  }
0x74: {  	_ =	shalt  }
0x75: {  	_ =	shalt  }
0x76: {  	_ =	shalt  }
0x77: {  	_ =	shalt  }
0x78: {  	_ =	shalt  }
0x79: {  	_ =	shalt  }
0x7a: {  	_ =	shalt  }
0x7b: {  	_ =	shalt  }
0x7c: {  	_ =	shalt  }
0x7d: {  	_ =	shalt  }
0x7e: {  	_ =	shalt  }
0x7f: {  	_ =	shalt  }
0x80: {  	_ =	shalt  }
0x81: {  	_ =	shalt  }
0x82: {  	_ =	shalt  }
0x83: {  	_ =	shalt  }
0x84: {  	_ =	shalt  }
0x85: {  	_ =	shalt  }
0x86: {  	_ =	shalt  }
0x87: {  	_ =	shalt  }
.Lfunc_end0:
.L_simem_size_0:
called_computation_lowered:
.L_overlay_start_0:
0x88: {  	s2 =	sld [smem:$0x3FD9]  }
0x89: {  	s3 =	sld [smem:$0x3FFE];
	_ =	sdelay $0x1  }
0x8a: {  	s1 =	srdreg.scid  }
0x8b: {  	s0 =	sand.u32 $0x1, s1  }
0x8c: {  	s17 =	sshll.u32 s0, $0xA;
	s2 =	sadd.s32 s3, s2  }
0x8d: {  	s2 =	sadd.s32 s2, s17  }
0x8e: {  	[smem:$0x3FB5] =	sst s2  }
0x8f: {  	_ = 	snop  }
0x90: {  	s2 =	sld [smem:$0x3FD0];
	(tm) =	ssettm $0x1  }
0x91: {  	s18 =	sld [smem:$0x3FFB];
	_ =	sdelay $0x3  }
0x92: {  	_ =	strace s18  }
0x93: {  	s3 =	sld [smem:$0x3FFC];
	_ =	sdelay $0x3  }
0x94: {  	_ =	strace s3  }
0x95: {  	s3 =	sld [smem:$0x3FFD];
	_ =	sdelay $0x3  }
0x96: {  	_ =	strace s3  }
0x97: {  	_ =	strace $0x8FFFFFFF  }
0x98: {  	s19 =	sld [smem:$0x3FDB];
	_ =	sdelay $0x1  }
0x99: {  	s4 =	simm.s32 $_scs_section_size  }
0x9a: {  	s5 =	simm.s32 $_size__tile_overlayer_lowered;
	s6 =	simm.s32 $_tile_overlayer_lowered  }
0x9b: {  	s22 =	simm.s32 $0x1BFF;
	s21 =	sshll.u32 s6, $0x1;
	s3 =	sadd.s32 s4, s19  }
0x9c: {  	s7 =	simm.s32 $0x0;
	s20 =	sshll.u32 s5, $0x1;
	s5 =	sadd.s32 s21, s3  }
0x9d: {  	[timem:s7], [sflag:s22] =	dma.local [hbm:s5], s20  }
0x9e: {  	_ =	swait.ge [sflag:s22], s20  }
0x9f: {  	s4 =	ssub.s32 $0x0, s20;
	[sflag:s22] =	ssyncset.done $0x0  }
0xa0: {  	[sflag:s22] =	ssyncadd.s32 s4;
	_ =	sdelay $0x1  }
0xa1: {  	s23 =	simm.s32 $0x1B8B  }
0xa2: {  	_ =	swait.ge [sflag:s23], $0x1  }
0xa3: {  	[sflag:s23] =	ssyncset.done $0x0  }
0xa4: {  	s25 =	simm.s32 $0x1B8E;
	s24 =	sld [smem:$0x3FFE];
	[sflag:s23] =	ssyncadd.s32 $0xFFFFFFFF  }
0xa5: {  	s26 =	simm.s32 $execute0_lowered;
	[smem:$0x3FD2] =	sst s25  }
0xa6: {  	s5 =	sshll.u32 s26, $0x1;
	_ =	strace $0x80000046;
	[dreg:$0x1] =	wrdreg $0xFFFFFFFF  }
0xa7: {  	s28 =	simm.s32 $_size_execute0_lowered;
	s3 =	sadd.s32 s3, s5;
	[dreg:$0x0] =	wrdreg $0x0  }
0xa8: {  	s5 =	sshll.u32 s28, $0x1;
	[dreg:$0x2] =	wrdreg s3  }
0xa9: {  	[dreg:$0x3] =	wrdreg s5  }
0xaa: {  	[dreg:$0x4] =	wrdreg $0xC0  }
0xab: {  	_ =	task [dreg:s7], $0x5FFFF  }
0xac: {  	[dreg:$0x1] =	wrdreg $0xFFFFFFFF  }
0xad: {  	[dreg:$0x0] =	wrdreg $0x60  }
0xae: {  	[dreg:$0x2] =	wrdreg s2  }
0xaf: {  	[dreg:$0x3] =	wrdreg s24  }
0xb0: {  	[dreg:$0x4] =	wrdreg $0x90000  }
0xb1: {  	[dreg:$0x5] =	wrdreg $0x9  }
0xb2: {  	_ =	task.clear_ibuf [dreg:s7], $0x6FFFF;
	_ =	strace $0x90000046  }
0xb3: {  	s29 =	simm.s32 $0x9;
	_ =	strace $0x80000048  }
0xb4: {  	_ =	swait.ge [sflag:s29], $0x1  }
0xb5: {  	[sflag:s29] =	ssyncadd.s32 $0xFFFFFFFF  }
0xb6: {  	_ =	strace $0x90000048  }
0xb7: {  	_ =	sfence  }
0xb8: {  	s30 =	sld [smem:$0x0];
	_ =	sdelay $0x2  }
0xb9: {  	s31 =	sshll.u32 s1, $0xD;
	s1 =	sshrl.u32 s1, $0x2  }
0xba: {  	s3 =	sand.u32 $0x4000, s31;
	s1 =	sadd.s32 s1, s30  }
0xbb: {  	s0 =	sor.u32 s3, s0;
	s1 =	sshll.u32 s1, $0x11  }
0xbc: {  	s0 =	sor.u32 s1, s0  }
0xbd: {  	s0 =	sadd.s32 $0x8F2B, s0  }
0xbe: {  	[sflag:s0] =	ssyncadd.remote.s32 $0x1  }
0xbf: {  	_ =	sfence.sel $0xFFFF  }
0xc0: {  	[dreg:$0x0] =	wrdreg $0xFFFFFFFF;
	(pc) =	sbr.abs _section_cstart, $3  }
0xc1: {  	[dreg:$0x1] =	wrdreg $0xFFFFFFFF  }
0xc2: {  	_ =	task.clear_ibuf [dreg:s7], $0x2FFFF;
	_ =	strace $0x9FFFFFFF  }
0xc3: {  	(tm) =	ssettm $0x7FFFFFFF  }
tec
execute0_lowered:
.L_overlay_start_1:
0x0: {  	(tag) =	ssettag $0x1  }
0x1: {  	s1 =	rddreg [dreg:$0x0]  }
0x2: {  	s7 =	rddreg [dreg:$0x1]  }
0x3: {  	s3 =	rddreg [dreg:$0x2];
	s5 =	srdreg.scid  }
0x4: {  	s2 =	stileid.u32;
	s4 =	simm.s32 $0x0;
	s26 =	simm.s32 $0x1800  }
0x5: {  	s28 =	simm.s32 $0x2000;
	s29 =	simm.s32 $0x2800;
	s30 =	simm.s32 $0x3000  }
0x6: {  	s31 =	simm.s32 $0x3800;
	s15 =	simm.s32 $0x4000;
	[smem:$0x7FF] =	sst s4  }
0x7: {  	s16 =	simm.s32 $0x4800;
	_ =	strace $0x80000047;
	[dreg:$0x4] =	wrdreg s26  }
0x8: {  	s17 =	simm.s32 $0x5800;
	s18 =	simm.s32 $0x6000;
	[dreg:$0x5] =	wrdreg s28  }
0x9: {  	s20 =	simm.s32 $0x6800;
	s19 =	simm.s32 $0x2;
	[dreg:$0x6] =	wrdreg s29  }
0xa: {  	s21 =	simm.s32 $0x7800;
	s6 =	smul.u32 $0xC40, s2;
	[dreg:$0x7] =	wrdreg s30  }
0xb: {  	s11 =	sand.u32 $0x1, s5;
	s9 =	smul.u32 $0x18800, s2;
	[dreg:$0x8] =	wrdreg s31  }
0xc: {  	s5 =	sadd.s32 $0x1E000, s7;
	s12 =	smul.u32 $0xA00, s2;
	[dreg:$0x9] =	wrdreg s15  }
0xd: {  	s25 =	sshll.u32 s2, $0x6;
	s8 =	smul.u32 $0xC400, s11;
	[dreg:$0xa] =	wrdreg s16  }
0xe: {  	s22 =	ssub.s32 $0x2, s11;
	p0 =	sne.s32 s11, $0x0;
	[dreg:$0xb] =	wrdreg s17  }
0xf: {  	s15 =	simm.s32 $0x1000;
	s16 =	simm.s32 $0x5000;
	[dreg:$0xc] =	wrdreg s18  }
0x10: {  	s17 =	simm.s32 $0x1;
	s18 =	simm.s32 $0x80;
	[dreg:$0xd] =	wrdreg s20  }
0x11: {  	s20 =	simm.s32 $0x7000;
	s23 =	sshrl.u32 s22, $0x1;
	s24 =	sshrl.u32 s9, $0x2  }
0x12: {  	s6 =	sadd.s32 s6, s8;
	s13 =	ssub.s32 s22, s23;
	s14 =	sadd.s32 s24, s3  }
.Ltmp0:
0x13: {  	s22 =	simm.s32 $0x8000;
	s23 =	simm.s32 $0x8800;
	(pc) =	sbr.rel .LBB2_1-.Ltmp0, $4  }
0x14: {  	s24 =	simm.s32 $0x3;
	s10 =	sadd.s32 s6, s7;
	s6 =	sor.u32 $0x1C05, s25  }
0x15: {  	s7 =	sadd.s32 s7, s12;
	s11 =	sshrl.u32 s14, $0x3;
	s12 =	simm.s32 $0x5  }
0x16: {  	s14 =	simm.s32 $0x400;
	s25 =	simm.s32 $0x4;
	s8 =	sadd.s32 $0xA000, s7  }
0x17: {  	s9 =	sadd.s32 $0x1EE00, s10;
	s10 =	smax.u32 s13, $0x1;
	s13 =	simm.s32 $0x800  }
.LBB2_4:
0x18: {  	s0 =	sshra.s32 s26, $0x2;
	[sflag:s25] =	ssyncadd.s32 $0xFFFFC000  }
0x19: {  	[tilespmem:s15], [sflag:$0x1] =	stream.indirect.gather [hbm4b:s1+s14], $0x10, s0, s14, $0xb8;
	[tilespmem:$0xF200] =	vst v63  }
0x1a: {  	s26 =	sadd.s32 $0x400, s0  }
0x1b: {  	[tilespmem:s16], [sflag:$0x2] =	stream.indirect.gather [hbm4b:s1+s14], $0x10, s26, s14, $0xb8;
	[tilespmem:$0xF200] =	vst v63  }
0x1c: {  	_ =	swait.ge [sflag:s17], $0x4000  }
0x1d: {  	[sflag:s17] =	ssyncset.done $0x0  }
0x1e: {  	s30 =	sadd.s32 $0x800, s0;
	[sflag:s17] =	ssyncadd.s32 $0xFFFFC000  }
0x1f: {  	[spmem:s3] =	stream.indirect.scatter.add.f32 [tilespmem:s15], [sflag:$0x3], $0x10, s30, s18, $0xb8;
	[tilespmem:$0xF200] =	vst v63  }
0x20: {  	s31 =	sadd.s32 $0x880, s0;
	s28 =	rddreg [dreg:$0x4]  }
0x21: {  	[spmem:s3] =	stream.indirect.scatter.add.f32 [tilespmem:s28], [sflag:$0x3], $0x10, s31, s18, $0xb8;
	[tilespmem:$0xF200] =	vst v63  }
0x22: {  	s29 =	rddreg [dreg:$0x5];
	s30 =	sadd.s32 $0x900, s0  }
0x23: {  	[spmem:s3] =	stream.indirect.scatter.add.f32 [tilespmem:s29], [sflag:$0x3], $0x10, s30, s18, $0xb8;
	[tilespmem:$0xF200] =	vst v63  }
0x24: {  	s31 =	rddreg [dreg:$0x6];
	s30 =	sadd.s32 $0x980, s0  }
0x25: {  	[spmem:s3] =	stream.indirect.scatter.add.f32 [tilespmem:s31], [sflag:$0x3], $0x10, s30, s18, $0xb8;
	[tilespmem:$0xF200] =	vst v63  }
0x26: {  	s29 =	rddreg [dreg:$0x7];
	s31 =	sadd.s32 $0xA00, s0  }
0x27: {  	[spmem:s3] =	stream.indirect.scatter.add.f32 [tilespmem:s29], [sflag:$0x3], $0x10, s31, s18, $0xb8;
	[tilespmem:$0xF200] =	vst v63  }
0x28: {  	s30 =	rddreg [dreg:$0x8];
	s31 =	sadd.s32 $0xA80, s0  }
0x29: {  	[spmem:s3] =	stream.indirect.scatter.add.f32 [tilespmem:s30], [sflag:$0x3], $0x10, s31, s18, $0xb8;
	[tilespmem:$0xF200] =	vst v63  }
0x2a: {  	s29 =	rddreg [dreg:$0x9];
	s30 =	sadd.s32 $0xB00, s0  }
0x2b: {  	[spmem:s3] =	stream.indirect.scatter.add.f32 [tilespmem:s29], [sflag:$0x3], $0x10, s30, s18, $0xb8;
	[tilespmem:$0xF200] =	vst v63  }
0x2c: {  	s31 =	rddreg [dreg:$0xa];
	s29 =	sadd.s32 $0xB80, s0  }
0x2d: {  	[spmem:s3] =	stream.indirect.scatter.add.f32 [tilespmem:s31], [sflag:$0x3], $0x10, s29, s18, $0xb8;
	[tilespmem:$0xF200] =	vst v63  }
0x2e: {  	_ =	swait.ge [sflag:s19], $0x4000  }
0x2f: {  	[sflag:s19] =	ssyncset.done $0x0  }
0x30: {  	s30 =	sadd.s32 $0xC00, s0;
	[sflag:s19] =	ssyncadd.s32 $0xFFFFC000  }
0x31: {  	[spmem:s3] =	stream.indirect.scatter.add.f32 [tilespmem:s16], [sflag:$0x4], $0x10, s30, s18, $0xb8;
	[tilespmem:$0xF200] =	vst v63  }
0x32: {  	s31 =	rddreg [dreg:$0xb];
	s30 =	sadd.s32 $0xC80, s0  }
0x33: {  	[spmem:s3] =	stream.indirect.scatter.add.f32 [tilespmem:s31], [sflag:$0x4], $0x10, s30, s18, $0xb8;
	[tilespmem:$0xF200] =	vst v63  }
0x34: {  	s29 =	rddreg [dreg:$0xc];
	s31 =	sadd.s32 $0xD00, s0  }
0x35: {  	[spmem:s3] =	stream.indirect.scatter.add.f32 [tilespmem:s29], [sflag:$0x4], $0x10, s31, s18, $0xb8;
	[tilespmem:$0xF200] =	vst v63  }
0x36: {  	s30 =	rddreg [dreg:$0xd];
	s31 =	sadd.s32 $0xD80, s0  }
0x37: {  	[spmem:s3] =	stream.indirect.scatter.add.f32 [tilespmem:s30], [sflag:$0x4], $0x10, s31, s18, $0xb8;
	[tilespmem:$0xF200] =	vst v63  }
0x38: {  	s29 =	sadd.s32 $0xE00, s0  }
0x39: {  	[spmem:s3] =	stream.indirect.scatter.add.f32 [tilespmem:s20], [sflag:$0x4], $0x10, s29, s18, $0xb8;
	[tilespmem:$0xF200] =	vst v63  }
0x3a: {  	s30 =	sadd.s32 $0xE80, s0  }
0x3b: {  	[spmem:s3] =	stream.indirect.scatter.add.f32 [tilespmem:s21], [sflag:$0x4], $0x10, s30, s18, $0xb8;
	[tilespmem:$0xF200] =	vst v63  }
0x3c: {  	s31 =	sadd.s32 $0xF00, s0  }
0x3d: {  	[spmem:s3] =	stream.indirect.scatter.add.f32 [tilespmem:s22], [sflag:$0x4], $0x10, s31, s18, $0xb8;
	[tilespmem:$0xF200] =	vst v63  }
0x3e: {  	s0 =	sadd.s32 $0xF80, s0  }
0x3f: {  	[spmem:s3] =	stream.indirect.scatter.add.f32 [tilespmem:s23], [sflag:$0x4], $0x10, s0, s18, $0xb8;
	[tilespmem:$0xF200] =	vst v63  }
0x40: {  	_ =	swait.ge [sflag:s24], $0x4000  }
0x41: {  	[sflag:s24] =	ssyncset.done $0x0  }
0x42: {  	[sflag:s24] =	ssyncadd.s32 $0xFFFFC000  }
0x43: {  	_ =	swait.ge [sflag:s25], $0x4000  }
0x44: {  	[sflag:s25] =	ssyncset.done $0x0  }
0x45: {  	[sflag:s25] =	ssyncadd.s32 $0xFFFFC000  }
.LBB2_5:
0x46: {  	s4 =	sadd.s32 $0x1, s4  }
0x47: {  	p1 =	sne.s32 s4, s10  }
.Ltmp1:
0x48: {  	[bflag:$0x0] =	sbarrier.arrive $0xFFFF;
	(pc) =	sbr.rel @!p1 .LBB2_6-.Ltmp1, $4  }
0x49: {  	[hbm:s9], [sflag:s6] =	dma.local [spmem:s11], $0xC40  }
0x4a: {  	_ =	swait.ge [sflag:s12], $0xC40  }
0x4b: {  	[sflag:s12] =	ssyncset.done $0x0  }
0x4c: {  	[sflag:s12] =	ssyncadd.s32 $0xFFFFF3C0  }
.LBB2_1:
0x4d: {  	[spmem:s11], [sflag:s6] =	dma.local [hbm:s5], $0xC40  }
.Ltmp2:
0x4e: {  	_ =	swait.ge [sflag:s12], $0xC40;
	(pc) =	sbr.rel @p0 .LBB2_5-.Ltmp2, $3  }
0x4f: {  	[sflag:s12] =	ssyncset.done $0x0  }
0x50: {  	[sflag:s12] =	ssyncadd.s32 $0xFFFFF3C0  }
0x51: {  	[bflag:$0x0] =	sbarrier.arrive $0xFFFF;
	_ =	sdelay $0x1  }
0x52: {  	s26 =	simm.s32 $0x0  }
0x53: {  	[tilespmem:s26], [sflag:$0x5] =	stream.linear.gather [hbm4b:s7+s26], $0x5000, $0x38;
	[tilespmem:$0xF200] =	vst v63  }
0x54: {  	_ =	swait.ge [sflag:s12], $0x5000  }
0x55: {  	[sflag:s12] =	ssyncset.done $0x0  }
0x56: {  	[sflag:s12] =	ssyncadd.s32 $0xFFFFB000  }
0x57: {  	[tilespmem:s13], [sflag:$0x5] =	stream.linear.gather [hbm4b:s8+s26], $0x5000, $0x38;
	[tilespmem:$0xF200] =	vst v63  }
0x58: {  	_ =	swait.ge [sflag:s12], $0x5000  }
0x59: {  	[sflag:s12] =	ssyncset.done $0x0  }
0x5a: {  	s0 =	simm.s32 $0x0;
	[sflag:s12] =	ssyncadd.s32 $0xFFFFB000  }
0x5b: {  	[tilespmem:s15], [sflag:$0x1] =	stream.indirect.gather [hbm4b:s1+s14], $0x10, s0, s14, $0xb8;
	[tilespmem:$0xF200] =	vst v63  }
0x5c: {  	s28 =	simm.s32 $0x400  }
0x5d: {  	[tilespmem:s16], [sflag:$0x2] =	stream.indirect.gather [hbm4b:s1+s14], $0x10, s28, s14, $0xb8;
	[tilespmem:$0xF200] =	vst v63  }
0x5e: {  	_ =	swait.ge [sflag:s17], $0x4000  }
0x5f: {  	[sflag:s17] =	ssyncset.done $0x0  }
0x60: {  	s29 =	simm.s32 $0x800;
	[sflag:s17] =	ssyncadd.s32 $0xFFFFC000  }
0x61: {  	[spmem:s3] =	stream.indirect.scatter.add.f32 [tilespmem:s15], [sflag:$0x3], $0x10, s29, s18, $0xb8;
	[tilespmem:$0xF200] =	vst v63  }
0x62: {  	s31 =	simm.s32 $0x880;
	s28 =	rddreg [dreg:$0x4]  }
0x63: {  	[spmem:s3] =	stream.indirect.scatter.add.f32 [tilespmem:s28], [sflag:$0x3], $0x10, s31, s18, $0xb8;
	[tilespmem:$0xF200] =	vst v63  }
0x64: {  	s0 =	simm.s32 $0x900;
	s29 =	rddreg [dreg:$0x5]  }
0x65: {  	[spmem:s3] =	stream.indirect.scatter.add.f32 [tilespmem:s29], [sflag:$0x3], $0x10, s0, s18, $0xb8;
	[tilespmem:$0xF200] =	vst v63  }
0x66: {  	s31 =	rddreg [dreg:$0x6];
	s0 =	simm.s32 $0x980  }
0x67: {  	[spmem:s3] =	stream.indirect.scatter.add.f32 [tilespmem:s31], [sflag:$0x3], $0x10, s0, s18, $0xb8;
	[tilespmem:$0xF200] =	vst v63  }
0x68: {  	s29 =	rddreg [dreg:$0x7];
	s31 =	simm.s32 $0xA00  }
0x69: {  	[spmem:s3] =	stream.indirect.scatter.add.f32 [tilespmem:s29], [sflag:$0x3], $0x10, s31, s18, $0xb8;
	[tilespmem:$0xF200] =	vst v63  }
0x6a: {  	s0 =	rddreg [dreg:$0x8];
	s31 =	simm.s32 $0xA80  }
0x6b: {  	[spmem:s3] =	stream.indirect.scatter.add.f32 [tilespmem:s0], [sflag:$0x3], $0x10, s31, s18, $0xb8;
	[tilespmem:$0xF200] =	vst v63  }
0x6c: {  	s29 =	rddreg [dreg:$0x9];
	s0 =	simm.s32 $0xB00  }
0x6d: {  	[spmem:s3] =	stream.indirect.scatter.add.f32 [tilespmem:s29], [sflag:$0x3], $0x10, s0, s18, $0xb8;
	[tilespmem:$0xF200] =	vst v63  }
0x6e: {  	s31 =	rddreg [dreg:$0xa];
	s0 =	simm.s32 $0xB80  }
0x6f: {  	[spmem:s3] =	stream.indirect.scatter.add.f32 [tilespmem:s31], [sflag:$0x3], $0x10, s0, s18, $0xb8;
	[tilespmem:$0xF200] =	vst v63  }
0x70: {  	_ =	swait.ge [sflag:s19], $0x4000  }
0x71: {  	[sflag:s19] =	ssyncset.done $0x0  }
0x72: {  	s29 =	simm.s32 $0xC00;
	[sflag:s19] =	ssyncadd.s32 $0xFFFFC000  }
0x73: {  	[spmem:s3] =	stream.indirect.scatter.add.f32 [tilespmem:s16], [sflag:$0x4], $0x10, s29, s18, $0xb8;
	[tilespmem:$0xF200] =	vst v63  }
0x74: {  	s0 =	simm.s32 $0xC80;
	s31 =	rddreg [dreg:$0xb]  }
0x75: {  	[spmem:s3] =	stream.indirect.scatter.add.f32 [tilespmem:s31], [sflag:$0x4], $0x10, s0, s18, $0xb8;
	[tilespmem:$0xF200] =	vst v63  }
0x76: {  	s29 =	rddreg [dreg:$0xc];
	s31 =	simm.s32 $0xD00  }
0x77: {  	[spmem:s3] =	stream.indirect.scatter.add.f32 [tilespmem:s29], [sflag:$0x4], $0x10, s31, s18, $0xb8;
	[tilespmem:$0xF200] =	vst v63  }
0x78: {  	s0 =	rddreg [dreg:$0xd];
	s31 =	simm.s32 $0xD80  }
0x79: {  	[spmem:s3] =	stream.indirect.scatter.add.f32 [tilespmem:s0], [sflag:$0x4], $0x10, s31, s18, $0xb8;
	[tilespmem:$0xF200] =	vst v63  }
0x7a: {  	s0 =	simm.s32 $0xE00  }
0x7b: {  	[spmem:s3] =	stream.indirect.scatter.add.f32 [tilespmem:s20], [sflag:$0x4], $0x10, s0, s18, $0xb8;
	[tilespmem:$0xF200] =	vst v63  }
0x7c: {  	s28 =	simm.s32 $0xE80  }
0x7d: {  	[spmem:s3] =	stream.indirect.scatter.add.f32 [tilespmem:s21], [sflag:$0x4], $0x10, s28, s18, $0xb8;
	[tilespmem:$0xF200] =	vst v63  }
0x7e: {  	s29 =	simm.s32 $0xF00  }
0x7f: {  	[spmem:s3] =	stream.indirect.scatter.add.f32 [tilespmem:s22], [sflag:$0x4], $0x10, s29, s18, $0xb8;
	[tilespmem:$0xF200] =	vst v63  }
0x80: {  	s31 =	simm.s32 $0xF80  }
0x81: {  	[spmem:s3] =	stream.indirect.scatter.add.f32 [tilespmem:s23], [sflag:$0x4], $0x10, s31, s18, $0xb8;
	[tilespmem:$0xF200] =	vst v63  }
0x82: {  	_ =	swait.ge [sflag:s24], $0x4000  }
0x83: {  	[sflag:s24] =	ssyncset.done $0x0  }
0x84: {  	[sflag:s24] =	ssyncadd.s32 $0xFFFFC000  }
0x85: {  	_ =	swait.ge [sflag:s25], $0x4000  }
0x86: {  	s30 =	simm.s32 $0x4000;
	s26 =	simm.s32 $0x2000;
	[sflag:s25] =	ssyncset.done $0x0  }
.LBB2_3:
0x87: {  	s29 =	sshra.s32 s26, $0x2;
	[sflag:s25] =	ssyncadd.s32 $0xFFFFC000;
	s26 =	smov.u32 s30  }
0x88: {  	[tilespmem:s15], [sflag:$0x1] =	stream.indirect.gather [hbm4b:s1+s14], $0x10, s29, s14, $0xb8;
	[tilespmem:$0xF200] =	vst v63  }
0x89: {  	s28 =	sadd.s32 $0x2000, s30;
	p1 =	sne.s32 s30, $0x12000;
	s30 =	sadd.s32 $0x400, s29  }
0x8a: {  	[tilespmem:s16], [sflag:$0x2] =	stream.indirect.gather [hbm4b:s1+s14], $0x10, s30, s14, $0xb8;
	[tilespmem:$0xF200] =	vst v63  }
0x8b: {  	_ =	swait.ge [sflag:s17], $0x4000  }
0x8c: {  	[sflag:s17] =	ssyncset.done $0x0  }
0x8d: {  	s30 =	sadd.s32 $0x800, s29;
	[sflag:s17] =	ssyncadd.s32 $0xFFFFC000  }
0x8e: {  	[spmem:s3] =	stream.indirect.scatter.add.f32 [tilespmem:s15], [sflag:$0x3], $0x10, s30, s18, $0xb8;
	[tilespmem:$0xF200] =	vst v63  }
0x8f: {  	s31 =	rddreg [dreg:$0x4];
	s30 =	sadd.s32 $0x880, s29  }
0x90: {  	[spmem:s3] =	stream.indirect.scatter.add.f32 [tilespmem:s31], [sflag:$0x3], $0x10, s30, s18, $0xb8;
	[tilespmem:$0xF200] =	vst v63  }
0x91: {  	s0 =	rddreg [dreg:$0x5];
	s30 =	sadd.s32 $0x900, s29  }
0x92: {  	[spmem:s3] =	stream.indirect.scatter.add.f32 [tilespmem:s0], [sflag:$0x3], $0x10, s30, s18, $0xb8;
	[tilespmem:$0xF200] =	vst v63  }
0x93: {  	s31 =	rddreg [dreg:$0x6];
	s0 =	sadd.s32 $0x980, s29  }
0x94: {  	[spmem:s3] =	stream.indirect.scatter.add.f32 [tilespmem:s31], [sflag:$0x3], $0x10, s0, s18, $0xb8;
	[tilespmem:$0xF200] =	vst v63  }
0x95: {  	s30 =	rddreg [dreg:$0x7];
	s0 =	sadd.s32 $0xA00, s29  }
0x96: {  	[spmem:s3] =	stream.indirect.scatter.add.f32 [tilespmem:s30], [sflag:$0x3], $0x10, s0, s18, $0xb8;
	[tilespmem:$0xF200] =	vst v63  }
0x97: {  	s31 =	rddreg [dreg:$0x8];
	s0 =	sadd.s32 $0xA80, s29  }
0x98: {  	[spmem:s3] =	stream.indirect.scatter.add.f32 [tilespmem:s31], [sflag:$0x3], $0x10, s0, s18, $0xb8;
	[tilespmem:$0xF200] =	vst v63  }
0x99: {  	s30 =	rddreg [dreg:$0x9];
	s0 =	sadd.s32 $0xB00, s29  }
0x9a: {  	[spmem:s3] =	stream.indirect.scatter.add.f32 [tilespmem:s30], [sflag:$0x3], $0x10, s0, s18, $0xb8;
	[tilespmem:$0xF200] =	vst v63  }
0x9b: {  	s31 =	rddreg [dreg:$0xa];
	s0 =	sadd.s32 $0xB80, s29  }
0x9c: {  	[spmem:s3] =	stream.indirect.scatter.add.f32 [tilespmem:s31], [sflag:$0x3], $0x10, s0, s18, $0xb8;
	[tilespmem:$0xF200] =	vst v63  }
0x9d: {  	_ =	swait.ge [sflag:s19], $0x4000  }
0x9e: {  	[sflag:s19] =	ssyncset.done $0x0  }
0x9f: {  	s31 =	sadd.s32 $0xC00, s29;
	[sflag:s19] =	ssyncadd.s32 $0xFFFFC000  }
0xa0: {  	[spmem:s3] =	stream.indirect.scatter.add.f32 [tilespmem:s16], [sflag:$0x4], $0x10, s31, s18, $0xb8;
	[tilespmem:$0xF200] =	vst v63  }
0xa1: {  	s0 =	sadd.s32 $0xC80, s29;
	s30 =	rddreg [dreg:$0xb]  }
0xa2: {  	[spmem:s3] =	stream.indirect.scatter.add.f32 [tilespmem:s30], [sflag:$0x4], $0x10, s0, s18, $0xb8;
	[tilespmem:$0xF200] =	vst v63  }
0xa3: {  	s31 =	rddreg [dreg:$0xc];
	s0 =	sadd.s32 $0xD00, s29  }
0xa4: {  	[spmem:s3] =	stream.indirect.scatter.add.f32 [tilespmem:s31], [sflag:$0x4], $0x10, s0, s18, $0xb8;
	[tilespmem:$0xF200] =	vst v63  }
0xa5: {  	s30 =	rddreg [dreg:$0xd];
	s31 =	sadd.s32 $0xD80, s29  }
0xa6: {  	[spmem:s3] =	stream.indirect.scatter.add.f32 [tilespmem:s30], [sflag:$0x4], $0x10, s31, s18, $0xb8;
	[tilespmem:$0xF200] =	vst v63  }
0xa7: {  	s31 =	sadd.s32 $0xE00, s29  }
0xa8: {  	[spmem:s3] =	stream.indirect.scatter.add.f32 [tilespmem:s20], [sflag:$0x4], $0x10, s31, s18, $0xb8;
	[tilespmem:$0xF200] =	vst v63  }
0xa9: {  	s31 =	sadd.s32 $0xE80, s29  }
0xaa: {  	[spmem:s3] =	stream.indirect.scatter.add.f32 [tilespmem:s21], [sflag:$0x4], $0x10, s31, s18, $0xb8;
	[tilespmem:$0xF200] =	vst v63  }
0xab: {  	s31 =	sadd.s32 $0xF00, s29  }
0xac: {  	[spmem:s3] =	stream.indirect.scatter.add.f32 [tilespmem:s22], [sflag:$0x4], $0x10, s31, s18, $0xb8;
	[tilespmem:$0xF200] =	vst v63  }
0xad: {  	s31 =	sadd.s32 $0xF80, s29  }
0xae: {  	[spmem:s3] =	stream.indirect.scatter.add.f32 [tilespmem:s23], [sflag:$0x4], $0x10, s31, s18, $0xb8;
	[tilespmem:$0xF200] =	vst v63  }
.Ltmp3:
0xaf: {  	_ =	swait.ge [sflag:s24], $0x4000;
	(pc) =	sbr.rel @p1 .LBB2_3-.Ltmp3, $4  }
0xb0: {  	[sflag:s24] =	ssyncset.done $0x0  }
0xb1: {  	[sflag:s24] =	ssyncadd.s32 $0xFFFFC000  }
0xb2: {  	_ =	swait.ge [sflag:s25], $0x4000  }
0xb3: {  	s30 =	smov.u32 s28;
	[sflag:s25] =	ssyncset.done $0x0  }
.Ltmp4:
0xb4: {  	_ = 	snop;
	(pc) =	sbr.rel .LBB2_4-.Ltmp4, $1  }
0xb5: {  	_ =	sdelay $0x3  }
.LBB2_6:
0xb6: {  	_ =	sfence.sel $0x180000  }
0xb7: {  	[bflag:$0x0] =	sbarrier.arrive $0xFFFF  }
0xb8: {  	_ =	strace $0x90000047  }
0xb9: {  	[bflag:$0x2] =	sbarrier.arrive $0xFFFF  }
0xba: {  	p0 =	sne.s32 s2, $0x0;
	s0 =	rddreg [dreg:$0x3]  }
0xbb: {  	s0 =	sadd.s32 @!p0 $0x100000, s0  }
0xbc: {  	[sflag:s0] =	ssyncadd.tile.s32 @!p0 $0x1;
	_ =	shalt  }
.Lfunc_end2:
_tile_overlayer_lowered:
.L_overlay_start_2:
0xbd: {  	(tag) =	ssettag $0x2  }
0xbe: {  	s0 =	rddreg [dreg:$0x0];
	s2 =	stileid.u32  }
0xbf: {  	s1 =	rddreg [dreg:$0x1];
	p0 =	sne.s32 s2, $0x0  }
0xc0: {  	s3 =	rddreg [dreg:$0x2];
	[bflag:$0x3] =	sbarrier.arrive $0xFFFF;
	s2 =	simm.s32 @!p0 $0x1C05  }
0xc1: {  	[timem:s3], [sflag:s2] =	dma.local @!p0 [hbm:s0], s1  }
0xc2: {  	s0 =	simm.s32 @!p0 $0x5  }
0xc3: {  	_ =	swait.ge @!p0 [sflag:s0], s1  }
0xc4: {  	s1 =	ssub.s32 @!p0 $0x0, s1;
	[sflag:s0] =	ssyncset.done @!p0 $0x0  }
0xc5: {  	[sflag:s0] =	ssyncadd.s32 @!p0 s1  }
0xc6: {  	[bflag:$0x3] =	sbarrier.arrive $0xFFFF  }
0xc7: {  	_ =	shalt  }

// kernel: kernel.9.cloned.1.call-start
scs
__scs_entry_jumppad:
0x0: {  	(pc) =	sbr.rel $0x88, $3  }
0x1: {  	(tag) =	ssettag $0x0;
	lr =	simm.s32 $0x1  }
0x2: {  	[smem:$0x3F8E] =	sst lr;
	_ =	strace $0xD0000000  }
0x3: {  	_ = 	snop  }
0x4: {  	_ = 	snop  }
0x5: {  	_ = 	snop  }
0x6: {  	_ = 	snop  }
0x7: {  	_ = 	snop  }
__scs_overlays_trampoline_lowered:
0x8: {  	[smem:$0x3F9D] =	sst s0  }
0x9: {  	[smem:$0x3F9E] =	sst s1  }
0xa: {  	[smem:$0x3F9F] =	sst s2  }
0xb: {  	[smem:$0x3FA0] =	sst s3  }
0xc: {  	[smem:$0x3FA1] =	sst s4  }
0xd: {  	[smem:$0x3FA2] =	sst s5  }
0xe: {  	[smem:$0x3FA3] =	sst s6  }
0xf: {  	[smem:$0x3FA4] =	sst s7  }
0x10: {  	[smem:$0x3FA5] =	sst s8  }
0x11: {  	[smem:$0x3FA6] =	sst s9;
	s0 =	simm.s32 @!p0 $0x0  }
0x12: {  	s1 =	sld [smem:$0x3F8C];
	s0 =	simm.s32 @p0 $0x1  }
0x13: {  	[smem:$0x3FA7] =	sst s0;
	s0 =	simm.s32 @!p1 $0x0  }
0x14: {  	s2 =	sld [smem:$0x3F8B];
	s0 =	simm.s32 @p1 $0x1  }
0x15: {  	[smem:$0x3FA8] =	sst s0;
	s0 =	simm.s32 @!p2 $0x0  }
0x16: {  	s3 =	sld [smem:$0x3FDB];
	s0 =	simm.s32 @p2 $0x1  }
0x17: {  	s4 =	simm.s32 $0x1BF5;
	[smem:$0x3FAA] =	sst s0  }
0x18: {  	s0 =	sld [smem:$0x3F8D];
	_ =	swait.ge [sflag:s4], $0x0  }
0x19: {  	s7 =	sld [smem:$0x3F8E]  }
0x1a: {  	s8 =	sadd.s32 $0xFFFFE003, lr  }
0x1b: {  	s9 =	sadd.s32 $0xFFFFFEF7, lr;
	s5 =	simm.s32 $0xFFFFFFFF;
	p2 =	slt.u32 s8, $0xFFFFF086  }
0x1c: {  	p1 =	slt.u32 s9, $0xF7A;
	s5 =	simm.s32 @!p2 $0x0  }
0x1d: {  	s5 =	simm.s32 @p1 $0x1;
	p0 =	seq.s32 s7, s2  }
0x1e: {  	s7 =	smul.u32 @!p0 $0xF7A, s2;
	p2 =	seq.s32 @!p0 s5, $0x0  }
0x1f: {  	s9 =	smul.u32 $0xF7A, s1;
	s8 =	simm.s32 @!p0 $0x1BF5;
	p2 =	por !p2, p0  }
0x20: {  	[sflag:s8] =	ssyncset.s32 @!p0 $0xFFFFF086;
	s6 =	sadd.s32 @!p0 s3, s7;
	s7 =	simm.s32 @!p0 $0x108  }
0x21: {  	s3 =	sadd.s32 s3, s9;
	s6 =	sadd.s32 @!p0 $0x88, s6;
	s7 =	simm.s32 @p2 $0x1082  }
0x22: {  	[simem:s7], [sflag:s8] =	dma.local @!p0 [hbm:s6], $0xF7A  }
0x23: {  	s9 =	sor.u32 $0xD0000000, s2;
	s6 =	simm.s32 $0x108;
	_ =	swait.ge @!p0 [sflag:s8], $0x0  }
0x24: {  	s3 =	sadd.s32 $0x88, s3;
	s6 =	simm.s32 @!p1 $0x1082;
	[sflag:s4] =	ssyncset.s32 $0xFFFFF086  }
0x25: {  	[simem:s6], [sflag:s4] =	dma.local [hbm:s3], $0xF7A  }
0x26: {  	[smem:$0x3F8E] =	sst s1;
	(tag) =	ssettag s2;
	_ =	strace s9  }
0x27: {  	s1 =	sld [smem:$0x3F9E]  }
0x28: {  	s2 =	sld [smem:$0x3F9F]  }
0x29: {  	s4 =	sld [smem:$0x3FA1]  }
0x2a: {  	p0 =	seq.s32 s5, $0x0;
	s5 =	sld [smem:$0x3FA2]  }
0x2b: {  	s6 =	sld [smem:$0x3FA3]  }
0x2c: {  	s7 =	sld [smem:$0x3FA4]  }
0x2d: {  	s3 =	simm.s32 $0x108;
	s8 =	sld [smem:$0x3FA5]  }
0x2e: {  	s3 =	simm.s32 @!p0 $0x1082;
	s9 =	sld [smem:$0x3FA6]  }
0x2f: {  	lr =	sadd.s32 s0, s3;
	s0 =	sld [smem:$0x3F9D]  }
0x30: {  	s3 =	sld [smem:$0x3FA0]  }
0x31: {  	[smem:$0x3FA9] =	sst s10  }
0x32: {  	s10 =	sld [smem:$0x3FA7];
	_ =	sdelay $0x3  }
0x33: {  	p0 =	seq.s32 s10, $0x1;
	s10 =	sld [smem:$0x3FA9];
	_ =	sdelay $0x3  }
0x34: {  	[smem:$0x3FA9] =	sst s10  }
0x35: {  	s10 =	sld [smem:$0x3FA8];
	_ =	sdelay $0x3  }
0x36: {  	p1 =	seq.s32 s10, $0x1;
	s10 =	sld [smem:$0x3FA9];
	_ =	sdelay $0x3  }
0x37: {  	[smem:$0x3FA9] =	sst s10  }
0x38: {  	s10 =	sld [smem:$0x3FAA]  }
0x39: {  	_ = 	snop;
	(pc) =	sbr.ind lr, $3  }
0x3a: {  	_ = 	snop  }
0x3b: {  	_ = 	snop  }
0x3c: {  	p2 =	seq.s32 s10, $0x1;
	s10 =	sld [smem:$0x3FA9]  }
0x3d: {  	_ =	shalt  }
0x3e: {  	_ =	shalt  }
0x3f: {  	_ =	shalt  }
0x40: {  	_ =	shalt  }
0x41: {  	_ =	shalt  }
0x42: {  	_ =	shalt  }
0x43: {  	_ =	shalt  }
0x44: {  	_ =	shalt  }
0x45: {  	_ =	shalt  }
0x46: {  	_ =	shalt  }
0x47: {  	_ =	shalt  }
0x48: {  	_ =	shalt  }
0x49: {  	_ =	shalt  }
0x4a: {  	_ =	shalt  }
0x4b: {  	_ =	shalt  }
0x4c: {  	_ =	shalt  }
0x4d: {  	_ =	shalt  }
0x4e: {  	_ =	shalt  }
0x4f: {  	_ =	shalt  }
0x50: {  	_ =	shalt  }
0x51: {  	_ =	shalt  }
0x52: {  	_ =	shalt  }
0x53: {  	_ =	shalt  }
0x54: {  	_ =	shalt  }
0x55: {  	_ =	shalt  }
0x56: {  	_ =	shalt  }
0x57: {  	_ =	shalt  }
0x58: {  	_ =	shalt  }
0x59: {  	_ =	shalt  }
0x5a: {  	_ =	shalt  }
0x5b: {  	_ =	shalt  }
0x5c: {  	_ =	shalt  }
0x5d: {  	_ =	shalt  }
0x5e: {  	_ =	shalt  }
0x5f: {  	_ =	shalt  }
0x60: {  	_ =	shalt  }
0x61: {  	_ =	shalt  }
0x62: {  	_ =	shalt  }
0x63: {  	_ =	shalt  }
0x64: {  	_ =	shalt  }
0x65: {  	_ =	shalt  }
0x66: {  	_ =	shalt  }
0x67: {  	_ =	shalt  }
0x68: {  	_ =	shalt  }
0x69: {  	_ =	shalt  }
0x6a: {  	_ =	shalt  }
0x6b: {  	_ =	shalt  }
0x6c: {  	_ =	shalt  }
0x6d: {  	_ =	shalt  }
0x6e: {  	_ =	shalt  }
0x6f: {  	_ =	shalt  }
0x70: {  	_ =	shalt  }
0x71: {  	_ =	shalt  }
0x72: {  	_ =	shalt  }
0x73: {  	_ =	shalt  }
0x74: {  	_ =	shalt  }
0x75: {  	_ =	shalt  }
0x76: {  	_ =	shalt  }
0x77: {  	_ =	shalt  }
0x78: {  	_ =	shalt  }
0x79: {  	_ =	shalt  }
0x7a: {  	_ =	shalt  }
0x7b: {  	_ =	shalt  }
0x7c: {  	_ =	shalt  }
0x7d: {  	_ =	shalt  }
0x7e: {  	_ =	shalt  }
0x7f: {  	_ =	shalt  }
0x80: {  	_ =	shalt  }
0x81: {  	_ =	shalt  }
0x82: {  	_ =	shalt  }
0x83: {  	_ =	shalt  }
0x84: {  	_ =	shalt  }
0x85: {  	_ =	shalt  }
0x86: {  	_ =	shalt  }
0x87: {  	_ =	shalt  }
.Lfunc_end0:
.L_simem_size_0:
called_computation.1_lowered:
.L_overlay_start_0:
0x88: {  	s2 =	sld [smem:$0x3FD9]  }
0x89: {  	s3 =	sld [smem:$0x3FFE];
	_ =	sdelay $0x1  }
0x8a: {  	s1 =	srdreg.scid  }
0x8b: {  	s0 =	sand.u32 $0x1, s1  }
0x8c: {  	s17 =	sshll.u32 s0, $0xA;
	s2 =	sadd.s32 s3, s2  }
0x8d: {  	s2 =	sadd.s32 s2, s17  }
0x8e: {  	[smem:$0x3FB5] =	sst s2  }
0x8f: {  	_ = 	snop  }
0x90: {  	s2 =	sld [smem:$0x3FD0];
	(tm) =	ssettm $0x1  }
0x91: {  	s18 =	sld [smem:$0x3FFB];
	_ =	sdelay $0x3  }
0x92: {  	_ =	strace s18  }
0x93: {  	s3 =	sld [smem:$0x3FFC];
	_ =	sdelay $0x3  }
0x94: {  	_ =	strace s3  }
0x95: {  	s3 =	sld [smem:$0x3FFD];
	_ =	sdelay $0x3  }
0x96: {  	_ =	strace s3  }
0x97: {  	_ =	strace $0x8FFFFFFF  }
0x98: {  	s19 =	sld [smem:$0x3FDB];
	_ =	sdelay $0x1  }
0x99: {  	s4 =	simm.s32 $_scs_section_size  }
0x9a: {  	s5 =	simm.s32 $_size__tile_overlayer_lowered;
	s6 =	simm.s32 $_tile_overlayer_lowered  }
0x9b: {  	s22 =	simm.s32 $0x1BFF;
	s21 =	sshll.u32 s6, $0x1;
	s3 =	sadd.s32 s4, s19  }
0x9c: {  	s7 =	simm.s32 $0x0;
	s20 =	sshll.u32 s5, $0x1;
	s5 =	sadd.s32 s21, s3  }
0x9d: {  	[timem:s7], [sflag:s22] =	dma.local [hbm:s5], s20  }
0x9e: {  	_ =	swait.ge [sflag:s22], s20  }
0x9f: {  	s4 =	ssub.s32 $0x0, s20;
	[sflag:s22] =	ssyncset.done $0x0  }
0xa0: {  	[sflag:s22] =	ssyncadd.s32 s4;
	_ =	sdelay $0x1  }
0xa1: {  	s23 =	simm.s32 $0x1B8B  }
0xa2: {  	_ =	swait.ge [sflag:s23], $0x1  }
0xa3: {  	[sflag:s23] =	ssyncset.done $0x0  }
0xa4: {  	s25 =	simm.s32 $0x1B8E;
	s24 =	sld [smem:$0x3FFE];
	[sflag:s23] =	ssyncadd.s32 $0xFFFFFFFF  }
0xa5: {  	s26 =	simm.s32 $execute0_lowered;
	[smem:$0x3FD2] =	sst s25  }
0xa6: {  	s5 =	sshll.u32 s26, $0x1;
	_ =	strace $0x80000049;
	[dreg:$0x1] =	wrdreg $0xFFFFFFFF  }
0xa7: {  	s28 =	simm.s32 $_size_execute0_lowered;
	s3 =	sadd.s32 s3, s5;
	[dreg:$0x0] =	wrdreg $0x0  }
0xa8: {  	s5 =	sshll.u32 s28, $0x1;
	[dreg:$0x2] =	wrdreg s3  }
0xa9: {  	[dreg:$0x3] =	wrdreg s5  }
0xaa: {  	[dreg:$0x4] =	wrdreg $0xC0  }
0xab: {  	_ =	task [dreg:s7], $0x5FFFF  }
0xac: {  	[dreg:$0x1] =	wrdreg $0xFFFFFFFF  }
0xad: {  	[dreg:$0x0] =	wrdreg $0x60  }
0xae: {  	[dreg:$0x2] =	wrdreg s2  }
0xaf: {  	[dreg:$0x3] =	wrdreg s24  }
0xb0: {  	[dreg:$0x4] =	wrdreg $0x90000  }
0xb1: {  	[dreg:$0x5] =	wrdreg $0x9  }
0xb2: {  	_ =	task.clear_ibuf [dreg:s7], $0x6FFFF;
	_ =	strace $0x90000049  }
0xb3: {  	s29 =	simm.s32 $0x9;
	_ =	strace $0x8000004B  }
0xb4: {  	_ =	swait.ge [sflag:s29], $0x1  }
0xb5: {  	[sflag:s29] =	ssyncadd.s32 $0xFFFFFFFF  }
0xb6: {  	_ =	strace $0x9000004B  }
0xb7: {  	_ =	sfence  }
0xb8: {  	s30 =	sld [smem:$0x0];
	_ =	sdelay $0x2  }
0xb9: {  	s31 =	sshll.u32 s1, $0xD;
	s1 =	sshrl.u32 s1, $0x2  }
0xba: {  	s3 =	sand.u32 $0x4000, s31;
	s1 =	sadd.s32 s1, s30  }
0xbb: {  	s0 =	sor.u32 s3, s0;
	s1 =	sshll.u32 s1, $0x11  }
0xbc: {  	s0 =	sor.u32 s1, s0  }
0xbd: {  	s0 =	sadd.s32 $0x8F2B, s0  }
0xbe: {  	[sflag:s0] =	ssyncadd.remote.s32 $0x1  }
0xbf: {  	_ =	sfence.sel $0xFFFF  }
0xc0: {  	[dreg:$0x0] =	wrdreg $0xFFFFFFFF;
	(pc) =	sbr.abs _section_cstart, $3  }
0xc1: {  	[dreg:$0x1] =	wrdreg $0xFFFFFFFF  }
0xc2: {  	_ =	task.clear_ibuf [dreg:s7], $0x2FFFF;
	_ =	strace $0x9FFFFFFF  }
0xc3: {  	(tm) =	ssettm $0x7FFFFFFF  }
tec
execute0_lowered:
.L_overlay_start_1:
0x0: {  	(tag) =	ssettag $0x1  }
0x1: {  	s2 =	rddreg [dreg:$0x0]  }
0x2: {  	s6 =	rddreg [dreg:$0x1]  }
0x3: {  	s3 =	rddreg [dreg:$0x2]  }
0x4: {  	s1 =	stileid.u32;
	s7 =	srdreg.scid  }
0x5: {  	s4 =	simm.s32 $0x0;
	s26 =	simm.s32 $0x1800;
	s28 =	simm.s32 $0x2000  }
0x6: {  	s29 =	simm.s32 $0x2800;
	s30 =	simm.s32 $0x3000;
	[smem:$0x7FF] =	sst s4  }
0x7: {  	s31 =	simm.s32 $0x3800;
	_ =	strace $0x8000004A;
	[dreg:$0x4] =	wrdreg s26  }
0x8: {  	s15 =	simm.s32 $0x4000;
	s16 =	simm.s32 $0x4800;
	[dreg:$0x5] =	wrdreg s28  }
0x9: {  	s17 =	simm.s32 $0x5800;
	s18 =	simm.s32 $0x6000;
	[dreg:$0x6] =	wrdreg s29  }
0xa: {  	s20 =	simm.s32 $0x6800;
	s5 =	smul.u32 $0xA00, s1;
	[dreg:$0x7] =	wrdreg s30  }
0xb: {  	s19 =	simm.s32 $0x2;
	s21 =	smul.u32 $0xC40, s1;
	[dreg:$0x8] =	wrdreg s31  }
0xc: {  	s11 =	sand.u32 $0x1, s7;
	s10 =	smul.u32 $0x18800, s1;
	[dreg:$0x9] =	wrdreg s15  }
0xd: {  	s25 =	sshll.u32 s1, $0x6;
	s8 =	smul.u32 $0xC400, s11;
	[dreg:$0xa] =	wrdreg s16  }
0xe: {  	s22 =	ssub.s32 $0x2, s11;
	p0 =	sne.s32 s11, $0x0;
	[dreg:$0xb] =	wrdreg s17  }
0xf: {  	s15 =	simm.s32 $0x1000;
	s16 =	simm.s32 $0x5000;
	[dreg:$0xc] =	wrdreg s18  }
0x10: {  	s17 =	simm.s32 $0x1;
	s18 =	simm.s32 $0x80;
	[dreg:$0xd] =	wrdreg s20  }
0x11: {  	s20 =	simm.s32 $0x7000;
	s9 =	sadd.s32 s5, s6;
	s5 =	sadd.s32 $0x1E000, s6  }
0x12: {  	s23 =	sshrl.u32 s22, $0x1;
	s24 =	sshrl.u32 s10, $0x2;
	s7 =	sadd.s32 s21, s8  }
0x13: {  	s13 =	ssub.s32 s22, s23;
	s14 =	sadd.s32 s24, s3;
	s8 =	sadd.s32 $0x14000, s9  }
.Ltmp0:
0x14: {  	s21 =	simm.s32 $0x7800;
	s22 =	simm.s32 $0x8000;
	(pc) =	sbr.rel .LBB2_1-.Ltmp0, $4  }
0x15: {  	s23 =	simm.s32 $0x8800;
	s24 =	simm.s32 $0x3;
	s12 =	sadd.s32 s7, s6  }
0x16: {  	s6 =	sor.u32 $0x1C05, s25;
	s7 =	sadd.s32 $0x37800, s9;
	s10 =	smax.u32 s13, $0x1  }
0x17: {  	s11 =	sshrl.u32 s14, $0x3;
	s13 =	simm.s32 $0x800;
	s14 =	simm.s32 $0x400  }
0x18: {  	s25 =	simm.s32 $0x4;
	s9 =	sadd.s32 $0x1EE00, s12;
	s12 =	simm.s32 $0x5  }
.LBB2_4:
0x19: {  	s0 =	sshra.s32 s26, $0x2;
	[sflag:s25] =	ssyncadd.s32 $0xFFFFC000  }
0x1a: {  	[tilespmem:s15], [sflag:$0x1] =	stream.indirect.gather [hbm4b:s2+s14], $0x10, s0, s14, $0xb8;
	[tilespmem:$0xF200] =	vst v63  }
0x1b: {  	s26 =	sadd.s32 $0x400, s0  }
0x1c: {  	[tilespmem:s16], [sflag:$0x2] =	stream.indirect.gather [hbm4b:s2+s14], $0x10, s26, s14, $0xb8;
	[tilespmem:$0xF200] =	vst v63  }
0x1d: {  	_ =	swait.ge [sflag:s17], $0x4000  }
0x1e: {  	[sflag:s17] =	ssyncset.done $0x0  }
0x1f: {  	s30 =	sadd.s32 $0x800, s0;
	[sflag:s17] =	ssyncadd.s32 $0xFFFFC000  }
0x20: {  	[spmem:s3] =	stream.indirect.scatter.add.f32 [tilespmem:s15], [sflag:$0x3], $0x10, s30, s18, $0xb8;
	[tilespmem:$0xF200] =	vst v63  }
0x21: {  	s31 =	sadd.s32 $0x880, s0;
	s28 =	rddreg [dreg:$0x4]  }
0x22: {  	[spmem:s3] =	stream.indirect.scatter.add.f32 [tilespmem:s28], [sflag:$0x3], $0x10, s31, s18, $0xb8;
	[tilespmem:$0xF200] =	vst v63  }
0x23: {  	s29 =	rddreg [dreg:$0x5];
	s30 =	sadd.s32 $0x900, s0  }
0x24: {  	[spmem:s3] =	stream.indirect.scatter.add.f32 [tilespmem:s29], [sflag:$0x3], $0x10, s30, s18, $0xb8;
	[tilespmem:$0xF200] =	vst v63  }
0x25: {  	s31 =	rddreg [dreg:$0x6];
	s30 =	sadd.s32 $0x980, s0  }
0x26: {  	[spmem:s3] =	stream.indirect.scatter.add.f32 [tilespmem:s31], [sflag:$0x3], $0x10, s30, s18, $0xb8;
	[tilespmem:$0xF200] =	vst v63  }
0x27: {  	s29 =	rddreg [dreg:$0x7];
	s31 =	sadd.s32 $0xA00, s0  }
0x28: {  	[spmem:s3] =	stream.indirect.scatter.add.f32 [tilespmem:s29], [sflag:$0x3], $0x10, s31, s18, $0xb8;
	[tilespmem:$0xF200] =	vst v63  }
0x29: {  	s30 =	rddreg [dreg:$0x8];
	s31 =	sadd.s32 $0xA80, s0  }
0x2a: {  	[spmem:s3] =	stream.indirect.scatter.add.f32 [tilespmem:s30], [sflag:$0x3], $0x10, s31, s18, $0xb8;
	[tilespmem:$0xF200] =	vst v63  }
0x2b: {  	s29 =	rddreg [dreg:$0x9];
	s30 =	sadd.s32 $0xB00, s0  }
0x2c: {  	[spmem:s3] =	stream.indirect.scatter.add.f32 [tilespmem:s29], [sflag:$0x3], $0x10, s30, s18, $0xb8;
	[tilespmem:$0xF200] =	vst v63  }
0x2d: {  	s31 =	rddreg [dreg:$0xa];
	s29 =	sadd.s32 $0xB80, s0  }
0x2e: {  	[spmem:s3] =	stream.indirect.scatter.add.f32 [tilespmem:s31], [sflag:$0x3], $0x10, s29, s18, $0xb8;
	[tilespmem:$0xF200] =	vst v63  }
0x2f: {  	_ =	swait.ge [sflag:s19], $0x4000  }
0x30: {  	[sflag:s19] =	ssyncset.done $0x0  }
0x31: {  	s30 =	sadd.s32 $0xC00, s0;
	[sflag:s19] =	ssyncadd.s32 $0xFFFFC000  }
0x32: {  	[spmem:s3] =	stream.indirect.scatter.add.f32 [tilespmem:s16], [sflag:$0x4], $0x10, s30, s18, $0xb8;
	[tilespmem:$0xF200] =	vst v63  }
0x33: {  	s31 =	rddreg [dreg:$0xb];
	s30 =	sadd.s32 $0xC80, s0  }
0x34: {  	[spmem:s3] =	stream.indirect.scatter.add.f32 [tilespmem:s31], [sflag:$0x4], $0x10, s30, s18, $0xb8;
	[tilespmem:$0xF200] =	vst v63  }
0x35: {  	s29 =	rddreg [dreg:$0xc];
	s31 =	sadd.s32 $0xD00, s0  }
0x36: {  	[spmem:s3] =	stream.indirect.scatter.add.f32 [tilespmem:s29], [sflag:$0x4], $0x10, s31, s18, $0xb8;
	[tilespmem:$0xF200] =	vst v63  }
0x37: {  	s30 =	rddreg [dreg:$0xd];
	s31 =	sadd.s32 $0xD80, s0  }
0x38: {  	[spmem:s3] =	stream.indirect.scatter.add.f32 [tilespmem:s30], [sflag:$0x4], $0x10, s31, s18, $0xb8;
	[tilespmem:$0xF200] =	vst v63  }
0x39: {  	s29 =	sadd.s32 $0xE00, s0  }
0x3a: {  	[spmem:s3] =	stream.indirect.scatter.add.f32 [tilespmem:s20], [sflag:$0x4], $0x10, s29, s18, $0xb8;
	[tilespmem:$0xF200] =	vst v63  }
0x3b: {  	s30 =	sadd.s32 $0xE80, s0  }
0x3c: {  	[spmem:s3] =	stream.indirect.scatter.add.f32 [tilespmem:s21], [sflag:$0x4], $0x10, s30, s18, $0xb8;
	[tilespmem:$0xF200] =	vst v63  }
0x3d: {  	s31 =	sadd.s32 $0xF00, s0  }
0x3e: {  	[spmem:s3] =	stream.indirect.scatter.add.f32 [tilespmem:s22], [sflag:$0x4], $0x10, s31, s18, $0xb8;
	[tilespmem:$0xF200] =	vst v63  }
0x3f: {  	s0 =	sadd.s32 $0xF80, s0  }
0x40: {  	[spmem:s3] =	stream.indirect.scatter.add.f32 [tilespmem:s23], [sflag:$0x4], $0x10, s0, s18, $0xb8;
	[tilespmem:$0xF200] =	vst v63  }
0x41: {  	_ =	swait.ge [sflag:s24], $0x4000  }
0x42: {  	[sflag:s24] =	ssyncset.done $0x0  }
0x43: {  	[sflag:s24] =	ssyncadd.s32 $0xFFFFC000  }
0x44: {  	_ =	swait.ge [sflag:s25], $0x4000  }
0x45: {  	[sflag:s25] =	ssyncset.done $0x0  }
0x46: {  	[sflag:s25] =	ssyncadd.s32 $0xFFFFC000  }
.LBB2_5:
0x47: {  	s4 =	sadd.s32 $0x1, s4  }
0x48: {  	p1 =	sne.s32 s4, s10  }
.Ltmp1:
0x49: {  	[bflag:$0x0] =	sbarrier.arrive $0xFFFF;
	(pc) =	sbr.rel @!p1 .LBB2_6-.Ltmp1, $4  }
0x4a: {  	[hbm:s9], [sflag:s6] =	dma.local [spmem:s11], $0xC40  }
0x4b: {  	_ =	swait.ge [sflag:s12], $0xC40  }
0x4c: {  	[sflag:s12] =	ssyncset.done $0x0  }
0x4d: {  	[sflag:s12] =	ssyncadd.s32 $0xFFFFF3C0  }
.LBB2_1:
0x4e: {  	[spmem:s11], [sflag:s6] =	dma.local [hbm:s5], $0xC40  }
.Ltmp2:
0x4f: {  	_ =	swait.ge [sflag:s12], $0xC40;
	(pc) =	sbr.rel @p0 .LBB2_5-.Ltmp2, $3  }
0x50: {  	[sflag:s12] =	ssyncset.done $0x0  }
0x51: {  	[sflag:s12] =	ssyncadd.s32 $0xFFFFF3C0  }
0x52: {  	[bflag:$0x0] =	sbarrier.arrive $0xFFFF;
	_ =	sdelay $0x1  }
0x53: {  	s26 =	simm.s32 $0x0  }
0x54: {  	[tilespmem:s26], [sflag:$0x5] =	stream.linear.gather [hbm4b:s7+s26], $0x5000, $0x38;
	[tilespmem:$0xF200] =	vst v63  }
0x55: {  	_ =	swait.ge [sflag:s12], $0x5000  }
0x56: {  	[sflag:s12] =	ssyncset.done $0x0  }
0x57: {  	[sflag:s12] =	ssyncadd.s32 $0xFFFFB000  }
0x58: {  	[tilespmem:s13], [sflag:$0x5] =	stream.linear.gather [hbm4b:s8+s26], $0x5000, $0x38;
	[tilespmem:$0xF200] =	vst v63  }
0x59: {  	_ =	swait.ge [sflag:s12], $0x5000  }
0x5a: {  	[sflag:s12] =	ssyncset.done $0x0  }
0x5b: {  	s0 =	simm.s32 $0x0;
	[sflag:s12] =	ssyncadd.s32 $0xFFFFB000  }
0x5c: {  	[tilespmem:s15], [sflag:$0x1] =	stream.indirect.gather [hbm4b:s2+s14], $0x10, s0, s14, $0xb8;
	[tilespmem:$0xF200] =	vst v63  }
0x5d: {  	s28 =	simm.s32 $0x400  }
0x5e: {  	[tilespmem:s16], [sflag:$0x2] =	stream.indirect.gather [hbm4b:s2+s14], $0x10, s28, s14, $0xb8;
	[tilespmem:$0xF200] =	vst v63  }
0x5f: {  	_ =	swait.ge [sflag:s17], $0x4000  }
0x60: {  	[sflag:s17] =	ssyncset.done $0x0  }
0x61: {  	s29 =	simm.s32 $0x800;
	[sflag:s17] =	ssyncadd.s32 $0xFFFFC000  }
0x62: {  	[spmem:s3] =	stream.indirect.scatter.add.f32 [tilespmem:s15], [sflag:$0x3], $0x10, s29, s18, $0xb8;
	[tilespmem:$0xF200] =	vst v63  }
0x63: {  	s31 =	simm.s32 $0x880;
	s28 =	rddreg [dreg:$0x4]  }
0x64: {  	[spmem:s3] =	stream.indirect.scatter.add.f32 [tilespmem:s28], [sflag:$0x3], $0x10, s31, s18, $0xb8;
	[tilespmem:$0xF200] =	vst v63  }
0x65: {  	s0 =	simm.s32 $0x900;
	s29 =	rddreg [dreg:$0x5]  }
0x66: {  	[spmem:s3] =	stream.indirect.scatter.add.f32 [tilespmem:s29], [sflag:$0x3], $0x10, s0, s18, $0xb8;
	[tilespmem:$0xF200] =	vst v63  }
0x67: {  	s31 =	rddreg [dreg:$0x6];
	s0 =	simm.s32 $0x980  }
0x68: {  	[spmem:s3] =	stream.indirect.scatter.add.f32 [tilespmem:s31], [sflag:$0x3], $0x10, s0, s18, $0xb8;
	[tilespmem:$0xF200] =	vst v63  }
0x69: {  	s29 =	rddreg [dreg:$0x7];
	s31 =	simm.s32 $0xA00  }
0x6a: {  	[spmem:s3] =	stream.indirect.scatter.add.f32 [tilespmem:s29], [sflag:$0x3], $0x10, s31, s18, $0xb8;
	[tilespmem:$0xF200] =	vst v63  }
0x6b: {  	s0 =	rddreg [dreg:$0x8];
	s31 =	simm.s32 $0xA80  }
0x6c: {  	[spmem:s3] =	stream.indirect.scatter.add.f32 [tilespmem:s0], [sflag:$0x3], $0x10, s31, s18, $0xb8;
	[tilespmem:$0xF200] =	vst v63  }
0x6d: {  	s29 =	rddreg [dreg:$0x9];
	s0 =	simm.s32 $0xB00  }
0x6e: {  	[spmem:s3] =	stream.indirect.scatter.add.f32 [tilespmem:s29], [sflag:$0x3], $0x10, s0, s18, $0xb8;
	[tilespmem:$0xF200] =	vst v63  }
0x6f: {  	s31 =	rddreg [dreg:$0xa];
	s0 =	simm.s32 $0xB80  }
0x70: {  	[spmem:s3] =	stream.indirect.scatter.add.f32 [tilespmem:s31], [sflag:$0x3], $0x10, s0, s18, $0xb8;
	[tilespmem:$0xF200] =	vst v63  }
0x71: {  	_ =	swait.ge [sflag:s19], $0x4000  }
0x72: {  	[sflag:s19] =	ssyncset.done $0x0  }
0x73: {  	s29 =	simm.s32 $0xC00;
	[sflag:s19] =	ssyncadd.s32 $0xFFFFC000  }
0x74: {  	[spmem:s3] =	stream.indirect.scatter.add.f32 [tilespmem:s16], [sflag:$0x4], $0x10, s29, s18, $0xb8;
	[tilespmem:$0xF200] =	vst v63  }
0x75: {  	s0 =	simm.s32 $0xC80;
	s31 =	rddreg [dreg:$0xb]  }
0x76: {  	[spmem:s3] =	stream.indirect.scatter.add.f32 [tilespmem:s31], [sflag:$0x4], $0x10, s0, s18, $0xb8;
	[tilespmem:$0xF200] =	vst v63  }
0x77: {  	s29 =	rddreg [dreg:$0xc];
	s31 =	simm.s32 $0xD00  }
0x78: {  	[spmem:s3] =	stream.indirect.scatter.add.f32 [tilespmem:s29], [sflag:$0x4], $0x10, s31, s18, $0xb8;
	[tilespmem:$0xF200] =	vst v63  }
0x79: {  	s0 =	rddreg [dreg:$0xd];
	s31 =	simm.s32 $0xD80  }
0x7a: {  	[spmem:s3] =	stream.indirect.scatter.add.f32 [tilespmem:s0], [sflag:$0x4], $0x10, s31, s18, $0xb8;
	[tilespmem:$0xF200] =	vst v63  }
0x7b: {  	s0 =	simm.s32 $0xE00  }
0x7c: {  	[spmem:s3] =	stream.indirect.scatter.add.f32 [tilespmem:s20], [sflag:$0x4], $0x10, s0, s18, $0xb8;
	[tilespmem:$0xF200] =	vst v63  }
0x7d: {  	s28 =	simm.s32 $0xE80  }
0x7e: {  	[spmem:s3] =	stream.indirect.scatter.add.f32 [tilespmem:s21], [sflag:$0x4], $0x10, s28, s18, $0xb8;
	[tilespmem:$0xF200] =	vst v63  }
0x7f: {  	s29 =	simm.s32 $0xF00  }
0x80: {  	[spmem:s3] =	stream.indirect.scatter.add.f32 [tilespmem:s22], [sflag:$0x4], $0x10, s29, s18, $0xb8;
	[tilespmem:$0xF200] =	vst v63  }
0x81: {  	s31 =	simm.s32 $0xF80  }
0x82: {  	[spmem:s3] =	stream.indirect.scatter.add.f32 [tilespmem:s23], [sflag:$0x4], $0x10, s31, s18, $0xb8;
	[tilespmem:$0xF200] =	vst v63  }
0x83: {  	_ =	swait.ge [sflag:s24], $0x4000  }
0x84: {  	[sflag:s24] =	ssyncset.done $0x0  }
0x85: {  	[sflag:s24] =	ssyncadd.s32 $0xFFFFC000  }
0x86: {  	_ =	swait.ge [sflag:s25], $0x4000  }
0x87: {  	s30 =	simm.s32 $0x4000;
	s26 =	simm.s32 $0x2000;
	[sflag:s25] =	ssyncset.done $0x0  }
.LBB2_3:
0x88: {  	s29 =	sshra.s32 s26, $0x2;
	[sflag:s25] =	ssyncadd.s32 $0xFFFFC000;
	s26 =	smov.u32 s30  }
0x89: {  	[tilespmem:s15], [sflag:$0x1] =	stream.indirect.gather [hbm4b:s2+s14], $0x10, s29, s14, $0xb8;
	[tilespmem:$0xF200] =	vst v63  }
0x8a: {  	s28 =	sadd.s32 $0x2000, s30;
	p1 =	sne.s32 s30, $0x12000;
	s30 =	sadd.s32 $0x400, s29  }
0x8b: {  	[tilespmem:s16], [sflag:$0x2] =	stream.indirect.gather [hbm4b:s2+s14], $0x10, s30, s14, $0xb8;
	[tilespmem:$0xF200] =	vst v63  }
0x8c: {  	_ =	swait.ge [sflag:s17], $0x4000  }
0x8d: {  	[sflag:s17] =	ssyncset.done $0x0  }
0x8e: {  	s30 =	sadd.s32 $0x800, s29;
	[sflag:s17] =	ssyncadd.s32 $0xFFFFC000  }
0x8f: {  	[spmem:s3] =	stream.indirect.scatter.add.f32 [tilespmem:s15], [sflag:$0x3], $0x10, s30, s18, $0xb8;
	[tilespmem:$0xF200] =	vst v63  }
0x90: {  	s31 =	rddreg [dreg:$0x4];
	s30 =	sadd.s32 $0x880, s29  }
0x91: {  	[spmem:s3] =	stream.indirect.scatter.add.f32 [tilespmem:s31], [sflag:$0x3], $0x10, s30, s18, $0xb8;
	[tilespmem:$0xF200] =	vst v63  }
0x92: {  	s0 =	rddreg [dreg:$0x5];
	s30 =	sadd.s32 $0x900, s29  }
0x93: {  	[spmem:s3] =	stream.indirect.scatter.add.f32 [tilespmem:s0], [sflag:$0x3], $0x10, s30, s18, $0xb8;
	[tilespmem:$0xF200] =	vst v63  }
0x94: {  	s31 =	rddreg [dreg:$0x6];
	s0 =	sadd.s32 $0x980, s29  }
0x95: {  	[spmem:s3] =	stream.indirect.scatter.add.f32 [tilespmem:s31], [sflag:$0x3], $0x10, s0, s18, $0xb8;
	[tilespmem:$0xF200] =	vst v63  }
0x96: {  	s30 =	rddreg [dreg:$0x7];
	s0 =	sadd.s32 $0xA00, s29  }
0x97: {  	[spmem:s3] =	stream.indirect.scatter.add.f32 [tilespmem:s30], [sflag:$0x3], $0x10, s0, s18, $0xb8;
	[tilespmem:$0xF200] =	vst v63  }
0x98: {  	s31 =	rddreg [dreg:$0x8];
	s0 =	sadd.s32 $0xA80, s29  }
0x99: {  	[spmem:s3] =	stream.indirect.scatter.add.f32 [tilespmem:s31], [sflag:$0x3], $0x10, s0, s18, $0xb8;
	[tilespmem:$0xF200] =	vst v63  }
0x9a: {  	s30 =	rddreg [dreg:$0x9];
	s0 =	sadd.s32 $0xB00, s29  }
0x9b: {  	[spmem:s3] =	stream.indirect.scatter.add.f32 [tilespmem:s30], [sflag:$0x3], $0x10, s0, s18, $0xb8;
	[tilespmem:$0xF200] =	vst v63  }
0x9c: {  	s31 =	rddreg [dreg:$0xa];
	s0 =	sadd.s32 $0xB80, s29  }
0x9d: {  	[spmem:s3] =	stream.indirect.scatter.add.f32 [tilespmem:s31], [sflag:$0x3], $0x10, s0, s18, $0xb8;
	[tilespmem:$0xF200] =	vst v63  }
0x9e: {  	_ =	swait.ge [sflag:s19], $0x4000  }
0x9f: {  	[sflag:s19] =	ssyncset.done $0x0  }
0xa0: {  	s31 =	sadd.s32 $0xC00, s29;
	[sflag:s19] =	ssyncadd.s32 $0xFFFFC000  }
0xa1: {  	[spmem:s3] =	stream.indirect.scatter.add.f32 [tilespmem:s16], [sflag:$0x4], $0x10, s31, s18, $0xb8;
	[tilespmem:$0xF200] =	vst v63  }
0xa2: {  	s0 =	sadd.s32 $0xC80, s29;
	s30 =	rddreg [dreg:$0xb]  }
0xa3: {  	[spmem:s3] =	stream.indirect.scatter.add.f32 [tilespmem:s30], [sflag:$0x4], $0x10, s0, s18, $0xb8;
	[tilespmem:$0xF200] =	vst v63  }
0xa4: {  	s31 =	rddreg [dreg:$0xc];
	s0 =	sadd.s32 $0xD00, s29  }
0xa5: {  	[spmem:s3] =	stream.indirect.scatter.add.f32 [tilespmem:s31], [sflag:$0x4], $0x10, s0, s18, $0xb8;
	[tilespmem:$0xF200] =	vst v63  }
0xa6: {  	s30 =	rddreg [dreg:$0xd];
	s31 =	sadd.s32 $0xD80, s29  }
0xa7: {  	[spmem:s3] =	stream.indirect.scatter.add.f32 [tilespmem:s30], [sflag:$0x4], $0x10, s31, s18, $0xb8;
	[tilespmem:$0xF200] =	vst v63  }
0xa8: {  	s31 =	sadd.s32 $0xE00, s29  }
0xa9: {  	[spmem:s3] =	stream.indirect.scatter.add.f32 [tilespmem:s20], [sflag:$0x4], $0x10, s31, s18, $0xb8;
	[tilespmem:$0xF200] =	vst v63  }
0xaa: {  	s31 =	sadd.s32 $0xE80, s29  }
0xab: {  	[spmem:s3] =	stream.indirect.scatter.add.f32 [tilespmem:s21], [sflag:$0x4], $0x10, s31, s18, $0xb8;
	[tilespmem:$0xF200] =	vst v63  }
0xac: {  	s31 =	sadd.s32 $0xF00, s29  }
0xad: {  	[spmem:s3] =	stream.indirect.scatter.add.f32 [tilespmem:s22], [sflag:$0x4], $0x10, s31, s18, $0xb8;
	[tilespmem:$0xF200] =	vst v63  }
0xae: {  	s31 =	sadd.s32 $0xF80, s29  }
0xaf: {  	[spmem:s3] =	stream.indirect.scatter.add.f32 [tilespmem:s23], [sflag:$0x4], $0x10, s31, s18, $0xb8;
	[tilespmem:$0xF200] =	vst v63  }
.Ltmp3:
0xb0: {  	_ =	swait.ge [sflag:s24], $0x4000;
	(pc) =	sbr.rel @p1 .LBB2_3-.Ltmp3, $4  }
0xb1: {  	[sflag:s24] =	ssyncset.done $0x0  }
0xb2: {  	[sflag:s24] =	ssyncadd.s32 $0xFFFFC000  }
0xb3: {  	_ =	swait.ge [sflag:s25], $0x4000  }
0xb4: {  	s30 =	smov.u32 s28;
	[sflag:s25] =	ssyncset.done $0x0  }
.Ltmp4:
0xb5: {  	_ = 	snop;
	(pc) =	sbr.rel .LBB2_4-.Ltmp4, $1  }
0xb6: {  	_ =	sdelay $0x3  }
.LBB2_6:
0xb7: {  	_ =	sfence.sel $0x180000  }
0xb8: {  	[bflag:$0x0] =	sbarrier.arrive $0xFFFF  }
0xb9: {  	_ =	strace $0x9000004A  }
0xba: {  	[bflag:$0x2] =	sbarrier.arrive $0xFFFF  }
0xbb: {  	p0 =	sne.s32 s1, $0x0;
	s0 =	rddreg [dreg:$0x3]  }
0xbc: {  	s0 =	sadd.s32 @!p0 $0x100000, s0  }
0xbd: {  	[sflag:s0] =	ssyncadd.tile.s32 @!p0 $0x1;
	_ =	shalt  }
.Lfunc_end2:
_tile_overlayer_lowered:
.L_overlay_start_2:
0xbe: {  	(tag) =	ssettag $0x2  }
0xbf: {  	s0 =	rddreg [dreg:$0x0];
	s2 =	stileid.u32  }
0xc0: {  	s1 =	rddreg [dreg:$0x1];
	p0 =	sne.s32 s2, $0x0  }
0xc1: {  	s3 =	rddreg [dreg:$0x2];
	[bflag:$0x3] =	sbarrier.arrive $0xFFFF;
	s2 =	simm.s32 @!p0 $0x1C05  }
0xc2: {  	[timem:s3], [sflag:s2] =	dma.local @!p0 [hbm:s0], s1  }
0xc3: {  	s0 =	simm.s32 @!p0 $0x5  }
0xc4: {  	_ =	swait.ge @!p0 [sflag:s0], s1  }
0xc5: {  	s1 =	ssub.s32 @!p0 $0x0, s1;
	[sflag:s0] =	ssyncset.done @!p0 $0x0  }
0xc6: {  	[sflag:s0] =	ssyncadd.s32 @!p0 s1  }
0xc7: {  	[bflag:$0x3] =	sbarrier.arrive $0xFFFF  }
0xc8: {  	_ =	shalt  }

</sc_bundles>
